<compile_context>
chip_gen: v7x
topology: tpu7x:2x2x1
jax: 0.10.2.dev20260603
libtpu: 0.0.44.dev20260713+nightly
codegen_flags: <defaults>
</compile_context>

<pallas_src>
import functools

import jax
import jax.numpy as jnp
from jax import lax
from jax.experimental import pallas as pl
from jax.experimental.pallas import tpu as pltpu
from jax.experimental.pallas import tpu_sc as plsc

_BF = jnp.bfloat16


def _dot_t(a, b):
    return lax.dot_general(a.astype(_BF), b.astype(_BF),
                           (((1,), (1,)), ((), ())),
                           preferred_element_type=jnp.float32)


def _fused_body(emb_ref, wout_ref, bout_ref, z_ref, win_ref, bin_ref,
                idx_ref, eproj_ref, en_ref, *, n_e, chunk_n):
    tile_m = z_ref.shape[0]

    @pl.when(pl.program_id(0) == 0)
    def _():
        e = emb_ref[...]
        n = jnp.sqrt(jnp.sum(e * e, axis=1, keepdims=True))
        en = e / jnp.maximum(n, 1e-12)
        en_ref[...] = en.astype(_BF)
        eproj_ref[...] = _dot_t(en, wout_ref[...]) + bout_ref[...]

    ze = _dot_t(z_ref[...], win_ref[...]) + bin_ref[...]
    zn = jnp.sqrt(jnp.sum(ze * ze, axis=1, keepdims=True))
    ze = ze / jnp.maximum(zn, 1e-12)

    lane = lax.broadcasted_iota(jnp.int32, (tile_m, 128), 1)
    best = jnp.full((tile_m, 128), -jnp.inf, jnp.float32)
    bcol = jnp.zeros((tile_m, 128), jnp.int32)
    for c in range(n_e // chunk_n):
        en = en_ref[pl.ds(c * chunk_n, chunk_n), :]
        s = lax.dot_general(ze, en, (((1,), (1,)), ((), ())),
                            preferred_element_type=jnp.float32)
        for j in range(chunk_n // 128):
            v = s[:, j * 128:(j + 1) * 128]
            take = v > best
            best = jnp.where(take, v, best)
            bcol = jnp.where(take, lane + (c * chunk_n + j * 128), bcol)
    rowmax = jnp.max(best, axis=1, keepdims=True)
    idx_ref[...] = jnp.min(
        jnp.where(best == rowmax, bcol, jnp.int32(2 ** 30)),
        axis=1, keepdims=True)


def _sc_gather(table, idx3d):
    info = plsc.get_sparse_core_info()
    nc, ns = info.num_cores, info.num_subcores
    nw, j_n, c = idx3d.shape
    assert nw == nc * ns
    _, d = table.shape
    mesh = plsc.VectorSubcoreMesh(core_axis_name="c", subcore_axis_name="s")

    @functools.partial(
        pl.kernel, mesh=mesh,
        out_type=jax.ShapeDtypeStruct((nw, j_n, c, d), jnp.float32),
        scratch_types=[
            pltpu.VMEM((j_n, c), jnp.int32),
            pltpu.VMEM((j_n, c, d), jnp.float32),
            pltpu.SemaphoreType.DMA,
        ],
    )
    def k(table_hbm, idx_hbm, out_hbm, idx_v, rows_v, sem):
        wid = lax.axis_index("s") * nc + lax.axis_index("c")
        pltpu.sync_copy(idx_hbm.at[wid], idx_v)
        cps = [pltpu.async_copy(table_hbm.at[idx_v.at[j]], rows_v.at[j], sem)
               for j in range(j_n)]
        for cp in cps:
            cp.wait()
        pltpu.sync_copy(rows_v, out_hbm.at[wid])

    return k(table, idx3d)


def kernel(z, mask, W_in, b_in, W_out, b_out, emb):
    bz, sz, ld = z.shape
    n_e, e_dim = emb.shape
    m = bz * sz
    zf = z.reshape(m, ld)

    tile_m, chunk_n = 768, 2048
    idx, emb_proj = pl.pallas_call(
        functools.partial(_fused_body, n_e=n_e, chunk_n=chunk_n),
        grid=(m // tile_m,),
        in_specs=[
            pl.BlockSpec((n_e, e_dim), lambda i: (0, 0)),
            pl.BlockSpec((ld, e_dim), lambda i: (0, 0)),
            pl.BlockSpec((1, ld), lambda i: (0, 0)),
            pl.BlockSpec((tile_m, ld), lambda i: (i, 0)),
            pl.BlockSpec((e_dim, ld), lambda i: (0, 0)),
            pl.BlockSpec((1, e_dim), lambda i: (0, 0)),
        ],
        out_specs=[
            pl.BlockSpec((tile_m, 1), lambda i: (i, 0)),
            pl.BlockSpec((n_e, ld), lambda i: (0, 0)),
        ],
        out_shape=[
            jax.ShapeDtypeStruct((m, 1), jnp.int32),
            jax.ShapeDtypeStruct((n_e, ld), jnp.float32),
        ],
        scratch_shapes=[pltpu.VMEM((n_e, e_dim), _BF)],
    )(emb, W_out, b_out.reshape(1, ld), zf, W_in, b_in.reshape(1, e_dim))
    idx = idx.reshape(m)

    zq = _sc_gather(emb_proj, idx.reshape(32, 3, 96))
    zq = zq.reshape(bz, sz, ld)
    return (zq, idx)

# --- scband reference (transcript-rebuilt; emitter-appended) ---
"""Pipeline reference for scband-vector-quantizer-87540023427944 (READ-ONLY COPY).

The authoritative reference and input builder live on the scoring server;
editing this copy changes nothing except your own understanding.
"""

import jax, jax.numpy as jnp
import numpy as np

N_E = 8192
E_DIM = 32
LATENT_DIM = 256
B, S = 16, 576


def _l2_normalize(x, axis=1, eps=1e-12):
    # matches torch F.normalize(p=2): x / max(||x||, eps)
    n = jnp.sqrt(jnp.sum(x * x, axis=axis, keepdims=True))
    return x / jnp.maximum(n, eps)


def setup_inputs(seed: int = 0) -> dict:
    key = jax.random.key(seed)
    k1, k2, k3, k4, k5 = jax.random.split(key, 5)
    z = jax.random.normal(k1, (B, S, LATENT_DIM), dtype=jnp.float32)
    mask = jnp.ones((B, S), dtype=bool)
    # input_linear_map: Linear(latent_dim -> e_dim), torch weight shape [out, in]
    lim = 1.0 / np.sqrt(LATENT_DIM)
    W_in = jax.random.uniform(k2, (E_DIM, LATENT_DIM), jnp.float32, -lim, lim)
    b_in = jnp.zeros((E_DIM,), jnp.float32)
    # output_linear_map: Linear(e_dim -> latent_dim)
    lim2 = 1.0 / np.sqrt(E_DIM)
    W_out = jax.random.uniform(k3, (LATENT_DIM, E_DIM), jnp.float32, -lim2, lim2)
    b_out = jnp.zeros((LATENT_DIM,), jnp.float32)
    # embedding table, xavier uniform
    bound = np.sqrt(6.0 / (N_E + E_DIM))
    emb = jax.random.uniform(k4, (N_E, E_DIM), jnp.float32, -bound, bound)
    return {"z": z, "mask": mask, "W_in": W_in, "b_in": b_in, "W_out": W_out, "b_out": b_out, "emb": emb}


def reference(z, mask, W_in, b_in, W_out, b_out, emb):
    Bz, Sz, Ez = z.shape
    z_flat = z.reshape(Bz * Sz, Ez)
    z_flat = z_flat @ W_in.T + b_in
    z_flat = _l2_normalize(z_flat, axis=1)
    emb_n = _l2_normalize(emb, axis=1)  # module normalizes embedding weights in-place
    d = -(z_flat @ emb_n.T)  # (B*S, n_e)
    min_encoding_indices = jnp.argmin(d, axis=1)
    z_q_flat = jnp.take(emb_n, min_encoding_indices, axis=0)
    z_q_flat = z_q_flat @ W_out.T + b_out
    z_q = z_q_flat.reshape(z.shape)
    z_q = z + jax.lax.stop_gradient(z_q - z)  # straight-through estimator
    return (z_q, min_encoding_indices)

if __name__ == "__main__":
    import jax
    _d = setup_inputs()
    print(jax.jit(kernel)(*tuple(_d.values())))

</pallas_src>

<mosaic_0001>
#map = affine_map<(d0, d1) -> (0, 0)>
#map1 = affine_map<(d0, d1) -> (0, 0, 0)>
#map2 = affine_map<(d0, d1) -> (0, 0, 0, 0)>
module attributes {stable_mosaic.version = 14 : i64} {
  func.func @k(%arg0: i32, %arg1: i32, %arg2: memref<8192x256xf32, #tpu.memory_space<hbm>>, %arg3: memref<32x3x96xi32, #tpu.memory_space<hbm>>, %arg4: memref<32x3x96x256xf32, #tpu.memory_space<hbm>>, %arg5: memref<3x96xi32, #tpu.memory_space<vmem>>, %arg6: memref<3x96x256xf32, #tpu.memory_space<vmem>>, %arg7: memref<!tpu.dma_semaphore, #tpu.memory_space<semaphore_mem>>) attributes {dimension_semantics = [#tpu.dimension_semantics<core_parallel>, #tpu.dimension_semantics<subcore_parallel>], iteration_bounds = array<i64: 2, 16>, scalar_prefetch = 0 : i64, scratch_operands = 3 : i64, tpu.core_type = #tpu.core_type<sc_vector_subcore>, window_params = [{transform_indices = #map}, {transform_indices = #map1}, {transform_indices = #map2}]} {
    %mul3A = arith.constant 2 : i32
    %mul3A_0 = arith.muli %arg1, %mul3A : i32
    %add3A = arith.addi %mul3A_0, %arg0 : i32
    "tpu.region"() ({
      %run_scoped3A = tpu.sem_alloc : memref<!tpu.dma_semaphore, #tpu.memory_space<semaphore_mem>>
      %dma_start3A_71 = arith.constant 0 : i32
      %dma_start3A_72 = arith.constant 0 : i32
      %dma_start3A_73 = tpu.memref_slice %arg3[%add3A, %dma_start3A_71, %dma_start3A_72] : memref<32x3x96xi32, #tpu.memory_space<hbm>> -> memref<1x3x96xi32, #tpu.memory_space<hbm>>
      %dma_start3A_74 = tpu.memref_squeeze %dma_start3A_73 : memref<1x3x96xi32, #tpu.memory_space<hbm>> -> memref<3x96xi32, #tpu.memory_space<hbm>>
      %dma_start3A_75 = arith.constant 0 : i32
      %dma_start3A_76 = arith.constant 0 : i32
      %dma_start3A_77 = tpu.memref_slice %arg3[%add3A, %dma_start3A_75, %dma_start3A_76] : memref<32x3x96xi32, #tpu.memory_space<hbm>> -> memref<1x3x96xi32, #tpu.memory_space<hbm>>
      %dma_start3A_78 = tpu.memref_squeeze %dma_start3A_77 : memref<1x3x96xi32, #tpu.memory_space<hbm>> -> memref<3x96xi32, #tpu.memory_space<hbm>>
      tpu.enqueue_dma source(%dma_start3A_78 : memref<3x96xi32, #tpu.memory_space<hbm>>) target(%arg5 : memref<3x96xi32, #tpu.memory_space<vmem>>) target_semaphore(%run_scoped3A : memref<!tpu.dma_semaphore, #tpu.memory_space<semaphore_mem>>)
      %dma_wait3A_79 = arith.constant 0 : i32
      %dma_wait3A_80 = arith.constant 0 : i32
      %dma_wait3A_81 = tpu.memref_slice %arg3[%add3A, %dma_wait3A_79, %dma_wait3A_80] : memref<32x3x96xi32, #tpu.memory_space<hbm>> -> memref<1x3x96xi32, #tpu.memory_space<hbm>>
      %dma_wait3A_82 = tpu.memref_squeeze %dma_wait3A_81 : memref<1x3x96xi32, #tpu.memory_space<hbm>> -> memref<3x96xi32, #tpu.memory_space<hbm>>
      %dma_wait3A_83 = arith.constant 0 : i32
      %dma_wait3A_84 = arith.constant 0 : i32
      %dma_wait3A_85 = tpu.memref_slice %arg3[%add3A, %dma_wait3A_83, %dma_wait3A_84] : memref<32x3x96xi32, #tpu.memory_space<hbm>> -> memref<1x3x96xi32, #tpu.memory_space<hbm>>
      %dma_wait3A_86 = tpu.memref_squeeze %dma_wait3A_85 : memref<1x3x96xi32, #tpu.memory_space<hbm>> -> memref<3x96xi32, #tpu.memory_space<hbm>>
      tpu.wait_dma2 semaphore(%run_scoped3A : memref<!tpu.dma_semaphore, #tpu.memory_space<semaphore_mem>>) src(%dma_wait3A_86 : memref<3x96xi32, #tpu.memory_space<hbm>>) dst(%arg5 : memref<3x96xi32, #tpu.memory_space<vmem>>)
      tpu.yield
    }) : () -> ()
    %dma_start3A = arith.constant 0 : i32
    %dma_start3A_1 = arith.constant 0 : i32
    %dma_start3A_2 = arith.constant 0 : i32
    %dma_start3A_3 = arith.constant 0 : i32
    %dma_start3A_4 = tpu.memref_slice %arg6[%dma_start3A_1, %dma_start3A_2, %dma_start3A_3] : memref<3x96x256xf32, #tpu.memory_space<vmem>> -> memref<1x96x256xf32, #tpu.memory_space<vmem>>
    %dma_start3A_5 = tpu.memref_squeeze %dma_start3A_4 : memref<1x96x256xf32, #tpu.memory_space<vmem>> -> memref<96x256xf32, #tpu.memory_space<vmem>>
    %dma_start3A_6 = arith.constant 0 : i32
    %dma_start3A_7 = tpu.memref_slice %arg5[%dma_start3A, %dma_start3A_6] : memref<3x96xi32, #tpu.memory_space<vmem>> -> memref<1x96xi32, #tpu.memory_space<vmem>>
    %dma_start3A_8 = tpu.memref_squeeze %dma_start3A_7 : memref<1x96xi32, #tpu.memory_space<vmem>> -> memref<96xi32, #tpu.memory_space<vmem>>
    %dma_start3A_9 = arith.constant 0 : i32
    %dma_start3A_10 = arith.constant 0 : i32
    %dma_start3A_11 = tpu.memref_slice %arg2[%dma_start3A_9, %dma_start3A_10] : memref<8192x256xf32, #tpu.memory_space<hbm>> -> memref<8192x256xf32, #tpu.memory_space<hbm>>
    tpu.enqueue_indirect_dma source(%dma_start3A_11 : memref<8192x256xf32, #tpu.memory_space<hbm>>) target(%dma_start3A_5 : memref<96x256xf32, #tpu.memory_space<vmem>>) offsets(%dma_start3A_8 : memref<96xi32, #tpu.memory_space<vmem>>) semaphore(%arg7 : memref<!tpu.dma_semaphore, #tpu.memory_space<semaphore_mem>>)
    %dma_start3A_12 = arith.constant 1 : i32
    %dma_start3A_13 = arith.constant 1 : i32
    %dma_start3A_14 = arith.constant 0 : i32
    %dma_start3A_15 = arith.constant 0 : i32
    %dma_start3A_16 = tpu.memref_slice %arg6[%dma_start3A_13, %dma_start3A_14, %dma_start3A_15] : memref<3x96x256xf32, #tpu.memory_space<vmem>> -> memref<1x96x256xf32, #tpu.memory_space<vmem>>
    %dma_start3A_17 = tpu.memref_squeeze %dma_start3A_16 : memref<1x96x256xf32, #tpu.memory_space<vmem>> -> memref<96x256xf32, #tpu.memory_space<vmem>>
    %dma_start3A_18 = arith.constant 0 : i32
    %dma_start3A_19 = tpu.memref_slice %arg5[%dma_start3A_12, %dma_start3A_18] : memref<3x96xi32, #tpu.memory_space<vmem>> -> memref<1x96xi32, #tpu.memory_space<vmem>>
    %dma_start3A_20 = tpu.memref_squeeze %dma_start3A_19 : memref<1x96xi32, #tpu.memory_space<vmem>> -> memref<96xi32, #tpu.memory_space<vmem>>
    %dma_start3A_21 = arith.constant 0 : i32
    %dma_start3A_22 = arith.constant 0 : i32
    %dma_start3A_23 = tpu.memref_slice %arg2[%dma_start3A_21, %dma_start3A_22] : memref<8192x256xf32, #tpu.memory_space<hbm>> -> memref<8192x256xf32, #tpu.memory_space<hbm>>
    tpu.enqueue_indirect_dma source(%dma_start3A_23 : memref<8192x256xf32, #tpu.memory_space<hbm>>) target(%dma_start3A_17 : memref<96x256xf32, #tpu.memory_space<vmem>>) offsets(%dma_start3A_20 : memref<96xi32, #tpu.memory_space<vmem>>) semaphore(%arg7 : memref<!tpu.dma_semaphore, #tpu.memory_space<semaphore_mem>>)
    %dma_start3A_24 = arith.constant 2 : i32
    %dma_start3A_25 = arith.constant 2 : i32
    %dma_start3A_26 = arith.constant 0 : i32
    %dma_start3A_27 = arith.constant 0 : i32
    %dma_start3A_28 = tpu.memref_slice %arg6[%dma_start3A_25, %dma_start3A_26, %dma_start3A_27] : memref<3x96x256xf32, #tpu.memory_space<vmem>> -> memref<1x96x256xf32, #tpu.memory_space<vmem>>
    %dma_start3A_29 = tpu.memref_squeeze %dma_start3A_28 : memref<1x96x256xf32, #tpu.memory_space<vmem>> -> memref<96x256xf32, #tpu.memory_space<vmem>>
    %dma_start3A_30 = arith.constant 0 : i32
    %dma_start3A_31 = tpu.memref_slice %arg5[%dma_start3A_24, %dma_start3A_30] : memref<3x96xi32, #tpu.memory_space<vmem>> -> memref<1x96xi32, #tpu.memory_space<vmem>>
    %dma_start3A_32 = tpu.memref_squeeze %dma_start3A_31 : memref<1x96xi32, #tpu.memory_space<vmem>> -> memref<96xi32, #tpu.memory_space<vmem>>
    %dma_start3A_33 = arith.constant 0 : i32
    %dma_start3A_34 = arith.constant 0 : i32
    %dma_start3A_35 = tpu.memref_slice %arg2[%dma_start3A_33, %dma_start3A_34] : memref<8192x256xf32, #tpu.memory_space<hbm>> -> memref<8192x256xf32, #tpu.memory_space<hbm>>
    tpu.enqueue_indirect_dma source(%dma_start3A_35 : memref<8192x256xf32, #tpu.memory_space<hbm>>) target(%dma_start3A_29 : memref<96x256xf32, #tpu.memory_space<vmem>>) offsets(%dma_start3A_32 : memref<96xi32, #tpu.memory_space<vmem>>) semaphore(%arg7 : memref<!tpu.dma_semaphore, #tpu.memory_space<semaphore_mem>>)
    %dma_wait3A = arith.constant 0 : i32
    %dma_wait3A_36 = arith.constant 0 : i32
    %dma_wait3A_37 = arith.constant 0 : i32
    %dma_wait3A_38 = arith.constant 0 : i32
    %dma_wait3A_39 = tpu.memref_slice %arg6[%dma_wait3A_36, %dma_wait3A_37, %dma_wait3A_38] : memref<3x96x256xf32, #tpu.memory_space<vmem>> -> memref<1x96x256xf32, #tpu.memory_space<vmem>>
    %dma_wait3A_40 = tpu.memref_squeeze %dma_wait3A_39 : memref<1x96x256xf32, #tpu.memory_space<vmem>> -> memref<96x256xf32, #tpu.memory_space<vmem>>
    %dma_wait3A_41 = arith.constant 0 : i32
    %dma_wait3A_42 = tpu.memref_slice %arg5[%dma_wait3A, %dma_wait3A_41] : memref<3x96xi32, #tpu.memory_space<vmem>> -> memref<1x96xi32, #tpu.memory_space<vmem>>
    %dma_wait3A_43 = tpu.memref_squeeze %dma_wait3A_42 : memref<1x96xi32, #tpu.memory_space<vmem>> -> memref<96xi32, #tpu.memory_space<vmem>>
    %dma_wait3A_44 = arith.constant 0 : i32
    %dma_wait3A_45 = arith.constant 0 : i32
    %dma_wait3A_46 = tpu.memref_slice %arg2[%dma_wait3A_44, %dma_wait3A_45] : memref<8192x256xf32, #tpu.memory_space<hbm>> -> memref<8192x256xf32, #tpu.memory_space<hbm>>
    tpu.wait_indirect_dma semaphore(%arg7 : memref<!tpu.dma_semaphore, #tpu.memory_space<semaphore_mem>>) src(%dma_wait3A_46 : memref<8192x256xf32, #tpu.memory_space<hbm>>) dst(%dma_wait3A_40 : memref<96x256xf32, #tpu.memory_space<vmem>>)
    %dma_wait3A_47 = arith.constant 1 : i32
    %dma_wait3A_48 = arith.constant 1 : i32
    %dma_wait3A_49 = arith.constant 0 : i32
    %dma_wait3A_50 = arith.constant 0 : i32
    %dma_wait3A_51 = tpu.memref_slice %arg6[%dma_wait3A_48, %dma_wait3A_49, %dma_wait3A_50] : memref<3x96x256xf32, #tpu.memory_space<vmem>> -> memref<1x96x256xf32, #tpu.memory_space<vmem>>
    %dma_wait3A_52 = tpu.memref_squeeze %dma_wait3A_51 : memref<1x96x256xf32, #tpu.memory_space<vmem>> -> memref<96x256xf32, #tpu.memory_space<vmem>>
    %dma_wait3A_53 = arith.constant 0 : i32
    %dma_wait3A_54 = tpu.memref_slice %arg5[%dma_wait3A_47, %dma_wait3A_53] : memref<3x96xi32, #tpu.memory_space<vmem>> -> memref<1x96xi32, #tpu.memory_space<vmem>>
    %dma_wait3A_55 = tpu.memref_squeeze %dma_wait3A_54 : memref<1x96xi32, #tpu.memory_space<vmem>> -> memref<96xi32, #tpu.memory_space<vmem>>
    %dma_wait3A_56 = arith.constant 0 : i32
    %dma_wait3A_57 = arith.constant 0 : i32
    %dma_wait3A_58 = tpu.memref_slice %arg2[%dma_wait3A_56, %dma_wait3A_57] : memref<8192x256xf32, #tpu.memory_space<hbm>> -> memref<8192x256xf32, #tpu.memory_space<hbm>>
    tpu.wait_indirect_dma semaphore(%arg7 : memref<!tpu.dma_semaphore, #tpu.memory_space<semaphore_mem>>) src(%dma_wait3A_58 : memref<8192x256xf32, #tpu.memory_space<hbm>>) dst(%dma_wait3A_52 : memref<96x256xf32, #tpu.memory_space<vmem>>)
    %dma_wait3A_59 = arith.constant 2 : i32
    %dma_wait3A_60 = arith.constant 2 : i32
    %dma_wait3A_61 = arith.constant 0 : i32
    %dma_wait3A_62 = arith.constant 0 : i32
    %dma_wait3A_63 = tpu.memref_slice %arg6[%dma_wait3A_60, %dma_wait3A_61, %dma_wait3A_62] : memref<3x96x256xf32, #tpu.memory_space<vmem>> -> memref<1x96x256xf32, #tpu.memory_space<vmem>>
    %dma_wait3A_64 = tpu.memref_squeeze %dma_wait3A_63 : memref<1x96x256xf32, #tpu.memory_space<vmem>> -> memref<96x256xf32, #tpu.memory_space<vmem>>
    %dma_wait3A_65 = arith.constant 0 : i32
    %dma_wait3A_66 = tpu.memref_slice %arg5[%dma_wait3A_59, %dma_wait3A_65] : memref<3x96xi32, #tpu.memory_space<vmem>> -> memref<1x96xi32, #tpu.memory_space<vmem>>
    %dma_wait3A_67 = tpu.memref_squeeze %dma_wait3A_66 : memref<1x96xi32, #tpu.memory_space<vmem>> -> memref<96xi32, #tpu.memory_space<vmem>>
    %dma_wait3A_68 = arith.constant 0 : i32
    %dma_wait3A_69 = arith.constant 0 : i32
    %dma_wait3A_70 = tpu.memref_slice %arg2[%dma_wait3A_68, %dma_wait3A_69] : memref<8192x256xf32, #tpu.memory_space<hbm>> -> memref<8192x256xf32, #tpu.memory_space<hbm>>
    tpu.wait_indirect_dma semaphore(%arg7 : memref<!tpu.dma_semaphore, #tpu.memory_space<semaphore_mem>>) src(%dma_wait3A_70 : memref<8192x256xf32, #tpu.memory_space<hbm>>) dst(%dma_wait3A_64 : memref<96x256xf32, #tpu.memory_space<vmem>>)
    "tpu.region"() ({
      %run_scoped3A = tpu.sem_alloc : memref<!tpu.dma_semaphore, #tpu.memory_space<semaphore_mem>>
      %dma_start3A_71 = arith.constant 0 : i32
      %dma_start3A_72 = arith.constant 0 : i32
      %dma_start3A_73 = arith.constant 0 : i32
      %dma_start3A_74 = tpu.memref_slice %arg4[%add3A, %dma_start3A_71, %dma_start3A_72, %dma_start3A_73] : memref<32x3x96x256xf32, #tpu.memory_space<hbm>> -> memref<1x3x96x256xf32, #tpu.memory_space<hbm>>
      %dma_start3A_75 = tpu.memref_squeeze %dma_start3A_74 : memref<1x3x96x256xf32, #tpu.memory_space<hbm>> -> memref<3x96x256xf32, #tpu.memory_space<hbm>>
      %dma_start3A_76 = arith.constant 0 : i32
      %dma_start3A_77 = arith.constant 0 : i32
      %dma_start3A_78 = arith.constant 0 : i32
      %dma_start3A_79 = tpu.memref_slice %arg4[%add3A, %dma_start3A_76, %dma_start3A_77, %dma_start3A_78] : memref<32x3x96x256xf32, #tpu.memory_space<hbm>> -> memref<1x3x96x256xf32, #tpu.memory_space<hbm>>
      %dma_start3A_80 = tpu.memref_squeeze %dma_start3A_79 : memref<1x3x96x256xf32, #tpu.memory_space<hbm>> -> memref<3x96x256xf32, #tpu.memory_space<hbm>>
      tpu.enqueue_dma source(%arg6 : memref<3x96x256xf32, #tpu.memory_space<vmem>>) target(%dma_start3A_80 : memref<3x96x256xf32, #tpu.memory_space<hbm>>) target_semaphore(%run_scoped3A : memref<!tpu.dma_semaphore, #tpu.memory_space<semaphore_mem>>)
      %dma_wait3A_81 = arith.constant 0 : i32
      %dma_wait3A_82 = arith.constant 0 : i32
      %dma_wait3A_83 = arith.constant 0 : i32
      %dma_wait3A_84 = tpu.memref_slice %arg4[%add3A, %dma_wait3A_81, %dma_wait3A_82, %dma_wait3A_83] : memref<32x3x96x256xf32, #tpu.memory_space<hbm>> -> memref<1x3x96x256xf32, #tpu.memory_space<hbm>>
      %dma_wait3A_85 = tpu.memref_squeeze %dma_wait3A_84 : memref<1x3x96x256xf32, #tpu.memory_space<hbm>> -> memref<3x96x256xf32, #tpu.memory_space<hbm>>
      %dma_wait3A_86 = arith.constant 0 : i32
      %dma_wait3A_87 = arith.constant 0 : i32
      %dma_wait3A_88 = arith.constant 0 : i32
      %dma_wait3A_89 = tpu.memref_slice %arg4[%add3A, %dma_wait3A_86, %dma_wait3A_87, %dma_wait3A_88] : memref<32x3x96x256xf32, #tpu.memory_space<hbm>> -> memref<1x3x96x256xf32, #tpu.memory_space<hbm>>
      %dma_wait3A_90 = tpu.memref_squeeze %dma_wait3A_89 : memref<1x3x96x256xf32, #tpu.memory_space<hbm>> -> memref<3x96x256xf32, #tpu.memory_space<hbm>>
      tpu.wait_dma2 semaphore(%run_scoped3A : memref<!tpu.dma_semaphore, #tpu.memory_space<semaphore_mem>>) src(%arg6 : memref<3x96x256xf32, #tpu.memory_space<vmem>>) dst(%dma_wait3A_90 : memref<3x96x256xf32, #tpu.memory_space<hbm>>)
      tpu.yield
    }) : () -> ()
    return
  }
}

module attributes {stable_mosaic.version = 14 : i64} {
  func.func @_fused_body(%arg0: i32, %arg1: memref<8192x32xf32, #tpu.memory_space<vmem>>, %arg2: memref<256x32xf32, #tpu.memory_space<vmem>>, %arg3: memref<1x256xf32, #tpu.memory_space<vmem>>, %arg4: memref<768x256xf32, #tpu.memory_space<vmem>>, %arg5: memref<32x256xf32, #tpu.memory_space<vmem>>, %arg6: memref<1x32xf32, #tpu.memory_space<vmem>>, %arg7: memref<768x1xi32, #tpu.memory_space<vmem>>, %arg8: memref<8192x256xf32, #tpu.memory_space<vmem>>, %arg9: memref<8192x32xbf16, #tpu.memory_space<vmem>>) attributes {dimension_semantics = [#tpu.dimension_semantics<arbitrary>], iteration_bounds = array<i64: 12>, scalar_prefetch = 0 : i64, scratch_operands = 1 : i64, tpu.core_type = #tpu.core_type<tc>, window_params = [{pipeline_mode = #tpu.pipeline_mode<synchronous>, transform_indices = @transform_0, window_bounds = array<i64: 8192, 32>}, {pipeline_mode = #tpu.pipeline_mode<synchronous>, transform_indices = @transform_1, window_bounds = array<i64: 256, 32>}, {pipeline_mode = #tpu.pipeline_mode<synchronous>, transform_indices = @transform_2, window_bounds = array<i64: 1, 256>}, {transform_indices = @transform_3, window_bounds = array<i64: 768, 256>}, {pipeline_mode = #tpu.pipeline_mode<synchronous>, transform_indices = @transform_4, window_bounds = array<i64: 32, 256>}, {pipeline_mode = #tpu.pipeline_mode<synchronous>, transform_indices = @transform_5, window_bounds = array<i64: 1, 32>}, {transform_indices = @transform_6, window_bounds = array<i64: 768, 1>}, {pipeline_mode = #tpu.pipeline_mode<synchronous>, transform_indices = @transform_7, window_bounds = array<i64: 8192, 256>}]} {
    %eq3A = arith.constant 0 : i32
    %eq3A_0 = arith.cmpi eq, %arg0, %eq3A : i32
    %convert_element_type3A = arith.extui %eq3A_0 : i1 to i32
    %cond3A = arith.constant 0 : i32
    %cond3A_1 = arith.cmpi ne, %convert_element_type3A, %cond3A : i32
    scf.if %cond3A_1 {
      %get3A_497 = arith.constant 0 : index
      %get3A_498 = arith.constant 0 : index
      %get3A_499 = vector.load %arg1[%get3A_497, %get3A_498] : memref<8192x32xf32, #tpu.memory_space<vmem>>, vector<8192x32xf32>
      %mul3A_500 = arith.mulf %get3A_499, %get3A_499 : vector<8192x32xf32>
      %reduce_sum3A_501 = arith.constant dense<0.000000e+00> : vector<8192xf32>
      %reduce_sum3A_502 = vector.multi_reduction <add>, %mul3A_500, %reduce_sum3A_501 [1] : vector<8192x32xf32> to vector<8192xf32>
      %broadcast_in_dim3A_503 = vector.shape_cast %reduce_sum3A_502 : vector<8192xf32> to vector<8192x1xf32>
      %sqrt3A_504 = math.sqrt %broadcast_in_dim3A_503 : vector<8192x1xf32>
      %max3A_505 = arith.constant 9.99999996E-13 : f32
      %max3A_506 = vector.broadcast %max3A_505 : f32 to vector<8192x1xf32>
      %max3A_507 = arith.maximumf %sqrt3A_504, %max3A_506 : vector<8192x1xf32>
      %div3A_508 = vector.broadcast %max3A_507 : vector<8192x1xf32> to vector<8192x32xf32>
      %div3A_509 = arith.divf %get3A_499, %div3A_508 : vector<8192x32xf32>
      %convert_element_type3A_510 = arith.truncf %div3A_509 : vector<8192x32xf32> to vector<8192x32xbf16>
      %swap3A_511 = arith.constant 0 : index
      %swap3A_512 = arith.constant 0 : index
      %swap3A_513 = vector.load %arg9[%swap3A_511, %swap3A_512] : memref<8192x32xbf16, #tpu.memory_space<vmem>>, vector<8192x32xbf16>
      tpu.vector_store %arg9[%swap3A_511, %swap3A_512], %convert_element_type3A_510 {strides = array<i32>} : memref<8192x32xbf16, #tpu.memory_space<vmem>>, vector<8192x32xbf16>,
      %get3A_514 = arith.constant 0 : index
      %get3A_515 = arith.constant 0 : index
      %get3A_516 = vector.load %arg2[%get3A_514, %get3A_515] : memref<256x32xf32, #tpu.memory_space<vmem>>, vector<256x32xf32>
      %convert_element_type3A_517 = arith.truncf %div3A_509 : vector<8192x32xf32> to vector<8192x32xbf16>
      %convert_element_type3A_518 = arith.truncf %get3A_516 : vector<256x32xf32> to vector<256x32xbf16>
      %dot_general3A_519 = arith.constant dense<0.000000e+00> : vector<8192x256xf32>
      %dot_general3A_520 = tpu.matmul %convert_element_type3A_517, %convert_element_type3A_518, %dot_general3A_519 {dimension_numbers = #tpu.dot_dimension_numbers<[1], [1], [0], [0], [0, 0, 1, 0], [], []>, transpose_lhs_hint = false} : vector<8192x32xbf16>, vector<256x32xbf16>, vector<8192x256xf32> -> vector<8192x256xf32>
      %get3A_521 = arith.constant 0 : index
      %get3A_522 = arith.constant 0 : index
      %get3A_523 = vector.load %arg3[%get3A_521, %get3A_522] : memref<1x256xf32, #tpu.memory_space<vmem>>, vector<1x256xf32>
      %add3A_524 = vector.broadcast %get3A_523 : vector<1x256xf32> to vector<8192x256xf32>
      %add3A_525 = arith.addf %dot_general3A_520, %add3A_524 : vector<8192x256xf32>
      %swap3A_526 = arith.constant 0 : index
      %swap3A_527 = arith.constant 0 : index
      %swap3A_528 = vector.load %arg8[%swap3A_526, %swap3A_527] : memref<8192x256xf32, #tpu.memory_space<vmem>>, vector<8192x256xf32>
      tpu.vector_store %arg8[%swap3A_526, %swap3A_527], %add3A_525 {strides = array<i32>} : memref<8192x256xf32, #tpu.memory_space<vmem>>, vector<8192x256xf32>,
    } else {
    }
    %get3A = arith.constant 0 : index
    %get3A_2 = arith.constant 0 : index
    %get3A_3 = vector.load %arg4[%get3A, %get3A_2] : memref<768x256xf32, #tpu.memory_space<vmem>>, vector<768x256xf32>
    %get3A_4 = arith.constant 0 : index
    %get3A_5 = arith.constant 0 : index
    %get3A_6 = vector.load %arg5[%get3A_4, %get3A_5] : memref<32x256xf32, #tpu.memory_space<vmem>>, vector<32x256xf32>
    %convert_element_type3A_7 = arith.truncf %get3A_3 : vector<768x256xf32> to vector<768x256xbf16>
    %convert_element_type3A_8 = arith.truncf %get3A_6 : vector<32x256xf32> to vector<32x256xbf16>
    %dot_general3A = arith.constant dense<0.000000e+00> : vector<768x32xf32>
    %dot_general3A_9 = tpu.matmul %convert_element_type3A_7, %convert_element_type3A_8, %dot_general3A {dimension_numbers = #tpu.dot_dimension_numbers<[1], [1], [0], [0], [0, 0, 1, 0], [], []>, transpose_lhs_hint = false} : vector<768x256xbf16>, vector<32x256xbf16>, vector<768x32xf32> -> vector<768x32xf32>
    %get3A_10 = arith.constant 0 : index
    %get3A_11 = arith.constant 0 : index
    %get3A_12 = vector.load %arg6[%get3A_10, %get3A_11] : memref<1x32xf32, #tpu.memory_space<vmem>>, vector<1x32xf32>
    %add3A = vector.broadcast %get3A_12 : vector<1x32xf32> to vector<768x32xf32>
    %add3A_13 = arith.addf %dot_general3A_9, %add3A : vector<768x32xf32>
    %mul3A = arith.mulf %add3A_13, %add3A_13 : vector<768x32xf32>
    %reduce_sum3A = arith.constant dense<0.000000e+00> : vector<768xf32>
    %reduce_sum3A_14 = vector.multi_reduction <add>, %mul3A, %reduce_sum3A [1] : vector<768x32xf32> to vector<768xf32>
    %broadcast_in_dim3A = vector.shape_cast %reduce_sum3A_14 : vector<768xf32> to vector<768x1xf32>
    %sqrt3A = math.sqrt %broadcast_in_dim3A : vector<768x1xf32>
    %max3A = arith.constant 9.99999996E-13 : f32
    %max3A_15 = vector.broadcast %max3A : f32 to vector<768x1xf32>
    %max3A_16 = arith.maximumf %sqrt3A, %max3A_15 : vector<768x1xf32>
    %div3A = vector.broadcast %max3A_16 : vector<768x1xf32> to vector<768x32xf32>
    %div3A_17 = arith.divf %add3A_13, %div3A : vector<768x32xf32>
    %iota3A = tpu.iota {dimensions = array<i32: 1>} : vector<768x128xi32>
    %broadcast_in_dim3A_18 = arith.constant 0xFF800000 : f32
    %broadcast_in_dim3A_19 = vector.broadcast %broadcast_in_dim3A_18 : f32 to vector<768x128xf32>
    %broadcast_in_dim3A_20 = arith.constant 0 : i32
    %broadcast_in_dim3A_21 = vector.broadcast %broadcast_in_dim3A_20 : i32 to vector<768x128xi32>
    %get3A_22 = arith.constant 0 : index
    %get3A_23 = arith.constant 0 : index
    %get3A_24 = vector.load %arg9[%get3A_22, %get3A_23] : memref<8192x32xbf16, #tpu.memory_space<vmem>>, vector<2048x32xbf16>
    %dot_general3A_25 = arith.constant dense<0.000000e+00> : vector<768x2048xf32>
    %dot_general3A_26 = tpu.matmul %div3A_17, %get3A_24, %dot_general3A_25 {dimension_numbers = #tpu.dot_dimension_numbers<[1], [1], [0], [0], [0, 0, 1, 0], [], []>, transpose_lhs_hint = false} : vector<768x32xf32>, vector<2048x32xbf16>, vector<768x2048xf32> -> vector<768x2048xf32>
    %slice3A = vector.extract_strided_slice %dot_general3A_26 {offsets = [0, 0], sizes = [768, 128], strides = [1, 1]} : vector<768x2048xf32> to vector<768x128xf32>
    %gt3A = arith.cmpf ogt, %slice3A, %broadcast_in_dim3A_19 : vector<768x128xf32>
    %select_n3A = arith.select %gt3A, %slice3A, %broadcast_in_dim3A_19 : vector<768x128xi1>, vector<768x128xf32>
    %add3A_27 = arith.constant 0 : i32
    %add3A_28 = vector.broadcast %add3A_27 : i32 to vector<768x128xi32>
    %add3A_29 = arith.addi %iota3A, %add3A_28 : vector<768x128xi32>
    %select_n3A_30 = arith.select %gt3A, %add3A_29, %broadcast_in_dim3A_21 : vector<768x128xi1>, vector<768x128xi32>
    %slice3A_31 = vector.extract_strided_slice %dot_general3A_26 {offsets = [0, 128], sizes = [768, 128], strides = [1, 1]} : vector<768x2048xf32> to vector<768x128xf32>
    %gt3A_32 = arith.cmpf ogt, %slice3A_31, %select_n3A : vector<768x128xf32>
    %select_n3A_33 = arith.select %gt3A_32, %slice3A_31, %select_n3A : vector<768x128xi1>, vector<768x128xf32>
    %add3A_34 = arith.constant 128 : i32
    %add3A_35 = vector.broadcast %add3A_34 : i32 to vector<768x128xi32>
    %add3A_36 = arith.addi %iota3A, %add3A_35 : vector<768x128xi32>
    %select_n3A_37 = arith.select %gt3A_32, %add3A_36, %select_n3A_30 : vector<768x128xi1>, vector<768x128xi32>
    %slice3A_38 = vector.extract_strided_slice %dot_general3A_26 {offsets = [0, 256], sizes = [768, 128], strides = [1, 1]} : vector<768x2048xf32> to vector<768x128xf32>
    %gt3A_39 = arith.cmpf ogt, %slice3A_38, %select_n3A_33 : vector<768x128xf32>
    %select_n3A_40 = arith.select %gt3A_39, %slice3A_38, %select_n3A_33 : vector<768x128xi1>, vector<768x128xf32>
    %add3A_41 = arith.constant 256 : i32
    %add3A_42 = vector.broadcast %add3A_41 : i32 to vector<768x128xi32>
    %add3A_43 = arith.addi %iota3A, %add3A_42 : vector<768x128xi32>
    %select_n3A_44 = arith.select %gt3A_39, %add3A_43, %select_n3A_37 : vector<768x128xi1>, vector<768x128xi32>
    %slice3A_45 = vector.extract_strided_slice %dot_general3A_26 {offsets = [0, 384], sizes = [768, 128], strides = [1, 1]} : vector<768x2048xf32> to vector<768x128xf32>
    %gt3A_46 = arith.cmpf ogt, %slice3A_45, %select_n3A_40 : vector<768x128xf32>
    %select_n3A_47 = arith.select %gt3A_46, %slice3A_45, %select_n3A_40 : vector<768x128xi1>, vector<768x128xf32>
    %add3A_48 = arith.constant 384 : i32
    %add3A_49 = vector.broadcast %add3A_48 : i32 to vector<768x128xi32>
    %add3A_50 = arith.addi %iota3A, %add3A_49 : vector<768x128xi32>
    %select_n3A_51 = arith.select %gt3A_46, %add3A_50, %select_n3A_44 : vector<768x128xi1>, vector<768x128xi32>
    %slice3A_52 = vector.extract_strided_slice %dot_general3A_26 {offsets = [0, 512], sizes = [768, 128], strides = [1, 1]} : vector<768x2048xf32> to vector<768x128xf32>
    %gt3A_53 = arith.cmpf ogt, %slice3A_52, %select_n3A_47 : vector<768x128xf32>
    %select_n3A_54 = arith.select %gt3A_53, %slice3A_52, %select_n3A_47 : vector<768x128xi1>, vector<768x128xf32>
    %add3A_55 = arith.constant 512 : i32
    %add3A_56 = vector.broadcast %add3A_55 : i32 to vector<768x128xi32>
    %add3A_57 = arith.addi %iota3A, %add3A_56 : vector<768x128xi32>
    %select_n3A_58 = arith.select %gt3A_53, %add3A_57, %select_n3A_51 : vector<768x128xi1>, vector<768x128xi32>
    %slice3A_59 = vector.extract_strided_slice %dot_general3A_26 {offsets = [0, 640], sizes = [768, 128], strides = [1, 1]} : vector<768x2048xf32> to vector<768x128xf32>
    %gt3A_60 = arith.cmpf ogt, %slice3A_59, %select_n3A_54 : vector<768x128xf32>
    %select_n3A_61 = arith.select %gt3A_60, %slice3A_59, %select_n3A_54 : vector<768x128xi1>, vector<768x128xf32>
    %add3A_62 = arith.constant 640 : i32
    %add3A_63 = vector.broadcast %add3A_62 : i32 to vector<768x128xi32>
    %add3A_64 = arith.addi %iota3A, %add3A_63 : vector<768x128xi32>
    %select_n3A_65 = arith.select %gt3A_60, %add3A_64, %select_n3A_58 : vector<768x128xi1>, vector<768x128xi32>
    %slice3A_66 = vector.extract_strided_slice %dot_general3A_26 {offsets = [0, 768], sizes = [768, 128], strides = [1, 1]} : vector<768x2048xf32> to vector<768x128xf32>
    %gt3A_67 = arith.cmpf ogt, %slice3A_66, %select_n3A_61 : vector<768x128xf32>
    %select_n3A_68 = arith.select %gt3A_67, %slice3A_66, %select_n3A_61 : vector<768x128xi1>, vector<768x128xf32>
    %add3A_69 = arith.constant 768 : i32
    %add3A_70 = vector.broadcast %add3A_69 : i32 to vector<768x128xi32>
    %add3A_71 = arith.addi %iota3A, %add3A_70 : vector<768x128xi32>
    %select_n3A_72 = arith.select %gt3A_67, %add3A_71, %select_n3A_65 : vector<768x128xi1>, vector<768x128xi32>
    %slice3A_73 = vector.extract_strided_slice %dot_general3A_26 {offsets = [0, 896], sizes = [768, 128], strides = [1, 1]} : vector<768x2048xf32> to vector<768x128xf32>
    %gt3A_74 = arith.cmpf ogt, %slice3A_73, %select_n3A_68 : vector<768x128xf32>
    %select_n3A_75 = arith.select %gt3A_74, %slice3A_73, %select_n3A_68 : vector<768x128xi1>, vector<768x128xf32>
    %add3A_76 = arith.constant 896 : i32
    %add3A_77 = vector.broadcast %add3A_76 : i32 to vector<768x128xi32>
    %add3A_78 = arith.addi %iota3A, %add3A_77 : vector<768x128xi32>
    %select_n3A_79 = arith.select %gt3A_74, %add3A_78, %select_n3A_72 : vector<768x128xi1>, vector<768x128xi32>
    %slice3A_80 = vector.extract_strided_slice %dot_general3A_26 {offsets = [0, 1024], sizes = [768, 128], strides = [1, 1]} : vector<768x2048xf32> to vector<768x128xf32>
    %gt3A_81 = arith.cmpf ogt, %slice3A_80, %select_n3A_75 : vector<768x128xf32>
    %select_n3A_82 = arith.select %gt3A_81, %slice3A_80, %select_n3A_75 : vector<768x128xi1>, vector<768x128xf32>
    %add3A_83 = arith.constant 1024 : i32
    %add3A_84 = vector.broadcast %add3A_83 : i32 to vector<768x128xi32>
    %add3A_85 = arith.addi %iota3A, %add3A_84 : vector<768x128xi32>
    %select_n3A_86 = arith.select %gt3A_81, %add3A_85, %select_n3A_79 : vector<768x128xi1>, vector<768x128xi32>
    %slice3A_87 = vector.extract_strided_slice %dot_general3A_26 {offsets = [0, 1152], sizes = [768, 128], strides = [1, 1]} : vector<768x2048xf32> to vector<768x128xf32>
    %gt3A_88 = arith.cmpf ogt, %slice3A_87, %select_n3A_82 : vector<768x128xf32>
    %select_n3A_89 = arith.select %gt3A_88, %slice3A_87, %select_n3A_82 : vector<768x128xi1>, vector<768x128xf32>
    %add3A_90 = arith.constant 1152 : i32
    %add3A_91 = vector.broadcast %add3A_90 : i32 to vector<768x128xi32>
    %add3A_92 = arith.addi %iota3A, %add3A_91 : vector<768x128xi32>
    %select_n3A_93 = arith.select %gt3A_88, %add3A_92, %select_n3A_86 : vector<768x128xi1>, vector<768x128xi32>
    %slice3A_94 = vector.extract_strided_slice %dot_general3A_26 {offsets = [0, 1280], sizes = [768, 128], strides = [1, 1]} : vector<768x2048xf32> to vector<768x128xf32>
    %gt3A_95 = arith.cmpf ogt, %slice3A_94, %select_n3A_89 : vector<768x128xf32>
    %select_n3A_96 = arith.select %gt3A_95, %slice3A_94, %select_n3A_89 : vector<768x128xi1>, vector<768x128xf32>
    %add3A_97 = arith.constant 1280 : i32
    %add3A_98 = vector.broadcast %add3A_97 : i32 to vector<768x128xi32>
    %add3A_99 = arith.addi %iota3A, %add3A_98 : vector<768x128xi32>
    %select_n3A_100 = arith.select %gt3A_95, %add3A_99, %select_n3A_93 : vector<768x128xi1>, vector<768x128xi32>
    %slice3A_101 = vector.extract_strided_slice %dot_general3A_26 {offsets = [0, 1408], sizes = [768, 128], strides = [1, 1]} : vector<768x2048xf32> to vector<768x128xf32>
    %gt3A_102 = arith.cmpf ogt, %slice3A_101, %select_n3A_96 : vector<768x128xf32>
    %select_n3A_103 = arith.select %gt3A_102, %slice3A_101, %select_n3A_96 : vector<768x128xi1>, vector<768x128xf32>
    %add3A_104 = arith.constant 1408 : i32
    %add3A_105 = vector.broadcast %add3A_104 : i32 to vector<768x128xi32>
    %add3A_106 = arith.addi %iota3A, %add3A_105 : vector<768x128xi32>
    %select_n3A_107 = arith.select %gt3A_102, %add3A_106, %select_n3A_100 : vector<768x128xi1>, vector<768x128xi32>
    %slice3A_108 = vector.extract_strided_slice %dot_general3A_26 {offsets = [0, 1536], sizes = [768, 128], strides = [1, 1]} : vector<768x2048xf32> to vector<768x128xf32>
    %gt3A_109 = arith.cmpf ogt, %slice3A_108, %select_n3A_103 : vector<768x128xf32>
    %select_n3A_110 = arith.select %gt3A_109, %slice3A_108, %select_n3A_103 : vector<768x128xi1>, vector<768x128xf32>
    %add3A_111 = arith.constant 1536 : i32
    %add3A_112 = vector.broadcast %add3A_111 : i32 to vector<768x128xi32>
    %add3A_113 = arith.addi %iota3A, %add3A_112 : vector<768x128xi32>
    %select_n3A_114 = arith.select %gt3A_109, %add3A_113, %select_n3A_107 : vector<768x128xi1>, vector<768x128xi32>
    %slice3A_115 = vector.extract_strided_slice %dot_general3A_26 {offsets = [0, 1664], sizes = [768, 128], strides = [1, 1]} : vector<768x2048xf32> to vector<768x128xf32>
    %gt3A_116 = arith.cmpf ogt, %slice3A_115, %select_n3A_110 : vector<768x128xf32>
    %select_n3A_117 = arith.select %gt3A_116, %slice3A_115, %select_n3A_110 : vector<768x128xi1>, vector<768x128xf32>
    %add3A_118 = arith.constant 1664 : i32
    %add3A_119 = vector.broadcast %add3A_118 : i32 to vector<768x128xi32>
    %add3A_120 = arith.addi %iota3A, %add3A_119 : vector<768x128xi32>
    %select_n3A_121 = arith.select %gt3A_116, %add3A_120, %select_n3A_114 : vector<768x128xi1>, vector<768x128xi32>
    %slice3A_122 = vector.extract_strided_slice %dot_general3A_26 {offsets = [0, 1792], sizes = [768, 128], strides = [1, 1]} : vector<768x2048xf32> to vector<768x128xf32>
    %gt3A_123 = arith.cmpf ogt, %slice3A_122, %select_n3A_117 : vector<768x128xf32>
    %select_n3A_124 = arith.select %gt3A_123, %slice3A_122, %select_n3A_117 : vector<768x128xi1>, vector<768x128xf32>
    %add3A_125 = arith.constant 1792 : i32
    %add3A_126 = vector.broadcast %add3A_125 : i32 to vector<768x128xi32>
    %add3A_127 = arith.addi %iota3A, %add3A_126 : vector<768x128xi32>
    %select_n3A_128 = arith.select %gt3A_123, %add3A_127, %select_n3A_121 : vector<768x128xi1>, vector<768x128xi32>
    %slice3A_129 = vector.extract_strided_slice %dot_general3A_26 {offsets = [0, 1920], sizes = [768, 128], strides = [1, 1]} : vector<768x2048xf32> to vector<768x128xf32>
    %gt3A_130 = arith.cmpf ogt, %slice3A_129, %select_n3A_124 : vector<768x128xf32>
    %select_n3A_131 = arith.select %gt3A_130, %slice3A_129, %select_n3A_124 : vector<768x128xi1>, vector<768x128xf32>
    %add3A_132 = arith.constant 1920 : i32
    %add3A_133 = vector.broadcast %add3A_132 : i32 to vector<768x128xi32>
    %add3A_134 = arith.addi %iota3A, %add3A_133 : vector<768x128xi32>
    %select_n3A_135 = arith.select %gt3A_130, %add3A_134, %select_n3A_128 : vector<768x128xi1>, vector<768x128xi32>
    %get3A_136 = arith.constant 2048 : index
    %get3A_137 = arith.constant 0 : index
    %get3A_138 = vector.load %arg9[%get3A_136, %get3A_137] : memref<8192x32xbf16, #tpu.memory_space<vmem>>, vector<2048x32xbf16>
    %dot_general3A_139 = arith.constant dense<0.000000e+00> : vector<768x2048xf32>
    %dot_general3A_140 = tpu.matmul %div3A_17, %get3A_138, %dot_general3A_139 {dimension_numbers = #tpu.dot_dimension_numbers<[1], [1], [0], [0], [0, 0, 1, 0], [], []>, transpose_lhs_hint = false} : vector<768x32xf32>, vector<2048x32xbf16>, vector<768x2048xf32> -> vector<768x2048xf32>
    %slice3A_141 = vector.extract_strided_slice %dot_general3A_140 {offsets = [0, 0], sizes = [768, 128], strides = [1, 1]} : vector<768x2048xf32> to vector<768x128xf32>
    %gt3A_142 = arith.cmpf ogt, %slice3A_141, %select_n3A_131 : vector<768x128xf32>
    %select_n3A_143 = arith.select %gt3A_142, %slice3A_141, %select_n3A_131 : vector<768x128xi1>, vector<768x128xf32>
    %add3A_144 = arith.constant 2048 : i32
    %add3A_145 = vector.broadcast %add3A_144 : i32 to vector<768x128xi32>
    %add3A_146 = arith.addi %iota3A, %add3A_145 : vector<768x128xi32>
    %select_n3A_147 = arith.select %gt3A_142, %add3A_146, %select_n3A_135 : vector<768x128xi1>, vector<768x128xi32>
    %slice3A_148 = vector.extract_strided_slice %dot_general3A_140 {offsets = [0, 128], sizes = [768, 128], strides = [1, 1]} : vector<768x2048xf32> to vector<768x128xf32>
    %gt3A_149 = arith.cmpf ogt, %slice3A_148, %select_n3A_143 : vector<768x128xf32>
    %select_n3A_150 = arith.select %gt3A_149, %slice3A_148, %select_n3A_143 : vector<768x128xi1>, vector<768x128xf32>
    %add3A_151 = arith.constant 2176 : i32
    %add3A_152 = vector.broadcast %add3A_151 : i32 to vector<768x128xi32>
    %add3A_153 = arith.addi %iota3A, %add3A_152 : vector<768x128xi32>
    %select_n3A_154 = arith.select %gt3A_149, %add3A_153, %select_n3A_147 : vector<768x128xi1>, vector<768x128xi32>
    %slice3A_155 = vector.extract_strided_slice %dot_general3A_140 {offsets = [0, 256], sizes = [768, 128], strides = [1, 1]} : vector<768x2048xf32> to vector<768x128xf32>
    %gt3A_156 = arith.cmpf ogt, %slice3A_155, %select_n3A_150 : vector<768x128xf32>
    %select_n3A_157 = arith.select %gt3A_156, %slice3A_155, %select_n3A_150 : vector<768x128xi1>, vector<768x128xf32>
    %add3A_158 = arith.constant 2304 : i32
    %add3A_159 = vector.broadcast %add3A_158 : i32 to vector<768x128xi32>
    %add3A_160 = arith.addi %iota3A, %add3A_159 : vector<768x128xi32>
    %select_n3A_161 = arith.select %gt3A_156, %add3A_160, %select_n3A_154 : vector<768x128xi1>, vector<768x128xi32>
    %slice3A_162 = vector.extract_strided_slice %dot_general3A_140 {offsets = [0, 384], sizes = [768, 128], strides = [1, 1]} : vector<768x2048xf32> to vector<768x128xf32>
    %gt3A_163 = arith.cmpf ogt, %slice3A_162, %select_n3A_157 : vector<768x128xf32>
    %select_n3A_164 = arith.select %gt3A_163, %slice3A_162, %select_n3A_157 : vector<768x128xi1>, vector<768x128xf32>
    %add3A_165 = arith.constant 2432 : i32
    %add3A_166 = vector.broadcast %add3A_165 : i32 to vector<768x128xi32>
    %add3A_167 = arith.addi %iota3A, %add3A_166 : vector<768x128xi32>
    %select_n3A_168 = arith.select %gt3A_163, %add3A_167, %select_n3A_161 : vector<768x128xi1>, vector<768x128xi32>
    %slice3A_169 = vector.extract_strided_slice %dot_general3A_140 {offsets = [0, 512], sizes = [768, 128], strides = [1, 1]} : vector<768x2048xf32> to vector<768x128xf32>
    %gt3A_170 = arith.cmpf ogt, %slice3A_169, %select_n3A_164 : vector<768x128xf32>
    %select_n3A_171 = arith.select %gt3A_170, %slice3A_169, %select_n3A_164 : vector<768x128xi1>, vector<768x128xf32>
    %add3A_172 = arith.constant 2560 : i32
    %add3A_173 = vector.broadcast %add3A_172 : i32 to vector<768x128xi32>
    %add3A_174 = arith.addi %iota3A, %add3A_173 : vector<768x128xi32>
    %select_n3A_175 = arith.select %gt3A_170, %add3A_174, %select_n3A_168 : vector<768x128xi1>, vector<768x128xi32>
    %slice3A_176 = vector.extract_strided_slice %dot_general3A_140 {offsets = [0, 640], sizes = [768, 128], strides = [1, 1]} : vector<768x2048xf32> to vector<768x128xf32>
    %gt3A_177 = arith.cmpf ogt, %slice3A_176, %select_n3A_171 : vector<768x128xf32>
    %select_n3A_178 = arith.select %gt3A_177, %slice3A_176, %select_n3A_171 : vector<768x128xi1>, vector<768x128xf32>
    %add3A_179 = arith.constant 2688 : i32
    %add3A_180 = vector.broadcast %add3A_179 : i32 to vector<768x128xi32>
    %add3A_181 = arith.addi %iota3A, %add3A_180 : vector<768x128xi32>
    %select_n3A_182 = arith.select %gt3A_177, %add3A_181, %select_n3A_175 : vector<768x128xi1>, vector<768x128xi32>
    %slice3A_183 = vector.extract_strided_slice %dot_general3A_140 {offsets = [0, 768], sizes = [768, 128], strides = [1, 1]} : vector<768x2048xf32> to vector<768x128xf32>
    %gt3A_184 = arith.cmpf ogt, %slice3A_183, %select_n3A_178 : vector<768x128xf32>
    %select_n3A_185 = arith.select %gt3A_184, %slice3A_183, %select_n3A_178 : vector<768x128xi1>, vector<768x128xf32>
    %add3A_186 = arith.constant 2816 : i32
    %add3A_187 = vector.broadcast %add3A_186 : i32 to vector<768x128xi32>
    %add3A_188 = arith.addi %iota3A, %add3A_187 : vector<768x128xi32>
    %select_n3A_189 = arith.select %gt3A_184, %add3A_188, %select_n3A_182 : vector<768x128xi1>, vector<768x128xi32>
    %slice3A_190 = vector.extract_strided_slice %dot_general3A_140 {offsets = [0, 896], sizes = [768, 128], strides = [1, 1]} : vector<768x2048xf32> to vector<768x128xf32>
    %gt3A_191 = arith.cmpf ogt, %slice3A_190, %select_n3A_185 : vector<768x128xf32>
    %select_n3A_192 = arith.select %gt3A_191, %slice3A_190, %select_n3A_185 : vector<768x128xi1>, vector<768x128xf32>
    %add3A_193 = arith.constant 2944 : i32
    %add3A_194 = vector.broadcast %add3A_193 : i32 to vector<768x128xi32>
    %add3A_195 = arith.addi %iota3A, %add3A_194 : vector<768x128xi32>
    %select_n3A_196 = arith.select %gt3A_191, %add3A_195, %select_n3A_189 : vector<768x128xi1>, vector<768x128xi32>
    %slice3A_197 = vector.extract_strided_slice %dot_general3A_140 {offsets = [0, 1024], sizes = [768, 128], strides = [1, 1]} : vector<768x2048xf32> to vector<768x128xf32>
    %gt3A_198 = arith.cmpf ogt, %slice3A_197, %select_n3A_192 : vector<768x128xf32>
    %select_n3A_199 = arith.select %gt3A_198, %slice3A_197, %select_n3A_192 : vector<768x128xi1>, vector<768x128xf32>
    %add3A_200 = arith.constant 3072 : i32
    %add3A_201 = vector.broadcast %add3A_200 : i32 to vector<768x128xi32>
    %add3A_202 = arith.addi %iota3A, %add3A_201 : vector<768x128xi32>
    %select_n3A_203 = arith.select %gt3A_198, %add3A_202, %select_n3A_196 : vector<768x128xi1>, vector<768x128xi32>
    %slice3A_204 = vector.extract_strided_slice %dot_general3A_140 {offsets = [0, 1152], sizes = [768, 128], strides = [1, 1]} : vector<768x2048xf32> to vector<768x128xf32>
    %gt3A_205 = arith.cmpf ogt, %slice3A_204, %select_n3A_199 : vector<768x128xf32>
    %select_n3A_206 = arith.select %gt3A_205, %slice3A_204, %select_n3A_199 : vector<768x128xi1>, vector<768x128xf32>
    %add3A_207 = arith.constant 3200 : i32
    %add3A_208 = vector.broadcast %add3A_207 : i32 to vector<768x128xi32>
    %add3A_209 = arith.addi %iota3A, %add3A_208 : vector<768x128xi32>
    %select_n3A_210 = arith.select %gt3A_205, %add3A_209, %select_n3A_203 : vector<768x128xi1>, vector<768x128xi32>
    %slice3A_211 = vector.extract_strided_slice %dot_general3A_140 {offsets = [0, 1280], sizes = [768, 128], strides = [1, 1]} : vector<768x2048xf32> to vector<768x128xf32>
    %gt3A_212 = arith.cmpf ogt, %slice3A_211, %select_n3A_206 : vector<768x128xf32>
    %select_n3A_213 = arith.select %gt3A_212, %slice3A_211, %select_n3A_206 : vector<768x128xi1>, vector<768x128xf32>
    %add3A_214 = arith.constant 3328 : i32
    %add3A_215 = vector.broadcast %add3A_214 : i32 to vector<768x128xi32>
    %add3A_216 = arith.addi %iota3A, %add3A_215 : vector<768x128xi32>
    %select_n3A_217 = arith.select %gt3A_212, %add3A_216, %select_n3A_210 : vector<768x128xi1>, vector<768x128xi32>
    %slice3A_218 = vector.extract_strided_slice %dot_general3A_140 {offsets = [0, 1408], sizes = [768, 128], strides = [1, 1]} : vector<768x2048xf32> to vector<768x128xf32>
    %gt3A_219 = arith.cmpf ogt, %slice3A_218, %select_n3A_213 : vector<768x128xf32>
    %select_n3A_220 = arith.select %gt3A_219, %slice3A_218, %select_n3A_213 : vector<768x128xi1>, vector<768x128xf32>
    %add3A_221 = arith.constant 3456 : i32
    %add3A_222 = vector.broadcast %add3A_221 : i32 to vector<768x128xi32>
    %add3A_223 = arith.addi %iota3A, %add3A_222 : vector<768x128xi32>
    %select_n3A_224 = arith.select %gt3A_219, %add3A_223, %select_n3A_217 : vector<768x128xi1>, vector<768x128xi32>
    %slice3A_225 = vector.extract_strided_slice %dot_general3A_140 {offsets = [0, 1536], sizes = [768, 128], strides = [1, 1]} : vector<768x2048xf32> to vector<768x128xf32>
    %gt3A_226 = arith.cmpf ogt, %slice3A_225, %select_n3A_220 : vector<768x128xf32>
    %select_n3A_227 = arith.select %gt3A_226, %slice3A_225, %select_n3A_220 : vector<768x128xi1>, vector<768x128xf32>
    %add3A_228 = arith.constant 3584 : i32
    %add3A_229 = vector.broadcast %add3A_228 : i32 to vector<768x128xi32>
    %add3A_230 = arith.addi %iota3A, %add3A_229 : vector<768x128xi32>
    %select_n3A_231 = arith.select %gt3A_226, %add3A_230, %select_n3A_224 : vector<768x128xi1>, vector<768x128xi32>
    %slice3A_232 = vector.extract_strided_slice %dot_general3A_140 {offsets = [0, 1664], sizes = [768, 128], strides = [1, 1]} : vector<768x2048xf32> to vector<768x128xf32>
    %gt3A_233 = arith.cmpf ogt, %slice3A_232, %select_n3A_227 : vector<768x128xf32>
    %select_n3A_234 = arith.select %gt3A_233, %slice3A_232, %select_n3A_227 : vector<768x128xi1>, vector<768x128xf32>
    %add3A_235 = arith.constant 3712 : i32
    %add3A_236 = vector.broadcast %add3A_235 : i32 to vector<768x128xi32>
    %add3A_237 = arith.addi %iota3A, %add3A_236 : vector<768x128xi32>
    %select_n3A_238 = arith.select %gt3A_233, %add3A_237, %select_n3A_231 : vector<768x128xi1>, vector<768x128xi32>
    %slice3A_239 = vector.extract_strided_slice %dot_general3A_140 {offsets = [0, 1792], sizes = [768, 128], strides = [1, 1]} : vector<768x2048xf32> to vector<768x128xf32>
    %gt3A_240 = arith.cmpf ogt, %slice3A_239, %select_n3A_234 : vector<768x128xf32>
    %select_n3A_241 = arith.select %gt3A_240, %slice3A_239, %select_n3A_234 : vector<768x128xi1>, vector<768x128xf32>
    %add3A_242 = arith.constant 3840 : i32
    %add3A_243 = vector.broadcast %add3A_242 : i32 to vector<768x128xi32>
    %add3A_244 = arith.addi %iota3A, %add3A_243 : vector<768x128xi32>
    %select_n3A_245 = arith.select %gt3A_240, %add3A_244, %select_n3A_238 : vector<768x128xi1>, vector<768x128xi32>
    %slice3A_246 = vector.extract_strided_slice %dot_general3A_140 {offsets = [0, 1920], sizes = [768, 128], strides = [1, 1]} : vector<768x2048xf32> to vector<768x128xf32>
    %gt3A_247 = arith.cmpf ogt, %slice3A_246, %select_n3A_241 : vector<768x128xf32>
    %select_n3A_248 = arith.select %gt3A_247, %slice3A_246, %select_n3A_241 : vector<768x128xi1>, vector<768x128xf32>
    %add3A_249 = arith.constant 3968 : i32
    %add3A_250 = vector.broadcast %add3A_249 : i32 to vector<768x128xi32>
    %add3A_251 = arith.addi %iota3A, %add3A_250 : vector<768x128xi32>
    %select_n3A_252 = arith.select %gt3A_247, %add3A_251, %select_n3A_245 : vector<768x128xi1>, vector<768x128xi32>
    %get3A_253 = arith.constant 4096 : index
    %get3A_254 = arith.constant 0 : index
    %get3A_255 = vector.load %arg9[%get3A_253, %get3A_254] : memref<8192x32xbf16, #tpu.memory_space<vmem>>, vector<2048x32xbf16>
    %dot_general3A_256 = arith.constant dense<0.000000e+00> : vector<768x2048xf32>
    %dot_general3A_257 = tpu.matmul %div3A_17, %get3A_255, %dot_general3A_256 {dimension_numbers = #tpu.dot_dimension_numbers<[1], [1], [0], [0], [0, 0, 1, 0], [], []>, transpose_lhs_hint = false} : vector<768x32xf32>, vector<2048x32xbf16>, vector<768x2048xf32> -> vector<768x2048xf32>
    %slice3A_258 = vector.extract_strided_slice %dot_general3A_257 {offsets = [0, 0], sizes = [768, 128], strides = [1, 1]} : vector<768x2048xf32> to vector<768x128xf32>
    %gt3A_259 = arith.cmpf ogt, %slice3A_258, %select_n3A_248 : vector<768x128xf32>
    %select_n3A_260 = arith.select %gt3A_259, %slice3A_258, %select_n3A_248 : vector<768x128xi1>, vector<768x128xf32>
    %add3A_261 = arith.constant 4096 : i32
    %add3A_262 = vector.broadcast %add3A_261 : i32 to vector<768x128xi32>
    %add3A_263 = arith.addi %iota3A, %add3A_262 : vector<768x128xi32>
    %select_n3A_264 = arith.select %gt3A_259, %add3A_263, %select_n3A_252 : vector<768x128xi1>, vector<768x128xi32>
    %slice3A_265 = vector.extract_strided_slice %dot_general3A_257 {offsets = [0, 128], sizes = [768, 128], strides = [1, 1]} : vector<768x2048xf32> to vector<768x128xf32>
    %gt3A_266 = arith.cmpf ogt, %slice3A_265, %select_n3A_260 : vector<768x128xf32>
    %select_n3A_267 = arith.select %gt3A_266, %slice3A_265, %select_n3A_260 : vector<768x128xi1>, vector<768x128xf32>
    %add3A_268 = arith.constant 4224 : i32
    %add3A_269 = vector.broadcast %add3A_268 : i32 to vector<768x128xi32>
    %add3A_270 = arith.addi %iota3A, %add3A_269 : vector<768x128xi32>
    %select_n3A_271 = arith.select %gt3A_266, %add3A_270, %select_n3A_264 : vector<768x128xi1>, vector<768x128xi32>
    %slice3A_272 = vector.extract_strided_slice %dot_general3A_257 {offsets = [0, 256], sizes = [768, 128], strides = [1, 1]} : vector<768x2048xf32> to vector<768x128xf32>
    %gt3A_273 = arith.cmpf ogt, %slice3A_272, %select_n3A_267 : vector<768x128xf32>
    %select_n3A_274 = arith.select %gt3A_273, %slice3A_272, %select_n3A_267 : vector<768x128xi1>, vector<768x128xf32>
    %add3A_275 = arith.constant 4352 : i32
    %add3A_276 = vector.broadcast %add3A_275 : i32 to vector<768x128xi32>
    %add3A_277 = arith.addi %iota3A, %add3A_276 : vector<768x128xi32>
    %select_n3A_278 = arith.select %gt3A_273, %add3A_277, %select_n3A_271 : vector<768x128xi1>, vector<768x128xi32>
    %slice3A_279 = vector.extract_strided_slice %dot_general3A_257 {offsets = [0, 384], sizes = [768, 128], strides = [1, 1]} : vector<768x2048xf32> to vector<768x128xf32>
    %gt3A_280 = arith.cmpf ogt, %slice3A_279, %select_n3A_274 : vector<768x128xf32>
    %select_n3A_281 = arith.select %gt3A_280, %slice3A_279, %select_n3A_274 : vector<768x128xi1>, vector<768x128xf32>
    %add3A_282 = arith.constant 4480 : i32
    %add3A_283 = vector.broadcast %add3A_282 : i32 to vector<768x128xi32>
    %add3A_284 = arith.addi %iota3A, %add3A_283 : vector<768x128xi32>
    %select_n3A_285 = arith.select %gt3A_280, %add3A_284, %select_n3A_278 : vector<768x128xi1>, vector<768x128xi32>
    %slice3A_286 = vector.extract_strided_slice %dot_general3A_257 {offsets = [0, 512], sizes = [768, 128], strides = [1, 1]} : vector<768x2048xf32> to vector<768x128xf32>
    %gt3A_287 = arith.cmpf ogt, %slice3A_286, %select_n3A_281 : vector<768x128xf32>
    %select_n3A_288 = arith.select %gt3A_287, %slice3A_286, %select_n3A_281 : vector<768x128xi1>, vector<768x128xf32>
    %add3A_289 = arith.constant 4608 : i32
    %add3A_290 = vector.broadcast %add3A_289 : i32 to vector<768x128xi32>
    %add3A_291 = arith.addi %iota3A, %add3A_290 : vector<768x128xi32>
    %select_n3A_292 = arith.select %gt3A_287, %add3A_291, %select_n3A_285 : vector<768x128xi1>, vector<768x128xi32>
    %slice3A_293 = vector.extract_strided_slice %dot_general3A_257 {offsets = [0, 640], sizes = [768, 128], strides = [1, 1]} : vector<768x2048xf32> to vector<768x128xf32>
    %gt3A_294 = arith.cmpf ogt, %slice3A_293, %select_n3A_288 : vector<768x128xf32>
    %select_n3A_295 = arith.select %gt3A_294, %slice3A_293, %select_n3A_288 : vector<768x128xi1>, vector<768x128xf32>
    %add3A_296 = arith.constant 4736 : i32
    %add3A_297 = vector.broadcast %add3A_296 : i32 to vector<768x128xi32>
    %add3A_298 = arith.addi %iota3A, %add3A_297 : vector<768x128xi32>
    %select_n3A_299 = arith.select %gt3A_294, %add3A_298, %select_n3A_292 : vector<768x128xi1>, vector<768x128xi32>
    %slice3A_300 = vector.extract_strided_slice %dot_general3A_257 {offsets = [0, 768], sizes = [768, 128], strides = [1, 1]} : vector<768x2048xf32> to vector<768x128xf32>
    %gt3A_301 = arith.cmpf ogt, %slice3A_300, %select_n3A_295 : vector<768x128xf32>
    %select_n3A_302 = arith.select %gt3A_301, %slice3A_300, %select_n3A_295 : vector<768x128xi1>, vector<768x128xf32>
    %add3A_303 = arith.constant 4864 : i32
    %add3A_304 = vector.broadcast %add3A_303 : i32 to vector<768x128xi32>
    %add3A_305 = arith.addi %iota3A, %add3A_304 : vector<768x128xi32>
    %select_n3A_306 = arith.select %gt3A_301, %add3A_305, %select_n3A_299 : vector<768x128xi1>, vector<768x128xi32>
    %slice3A_307 = vector.extract_strided_slice %dot_general3A_257 {offsets = [0, 896], sizes = [768, 128], strides = [1, 1]} : vector<768x2048xf32> to vector<768x128xf32>
    %gt3A_308 = arith.cmpf ogt, %slice3A_307, %select_n3A_302 : vector<768x128xf32>
    %select_n3A_309 = arith.select %gt3A_308, %slice3A_307, %select_n3A_302 : vector<768x128xi1>, vector<768x128xf32>
    %add3A_310 = arith.constant 4992 : i32
    %add3A_311 = vector.broadcast %add3A_310 : i32 to vector<768x128xi32>
    %add3A_312 = arith.addi %iota3A, %add3A_311 : vector<768x128xi32>
    %select_n3A_313 = arith.select %gt3A_308, %add3A_312, %select_n3A_306 : vector<768x128xi1>, vector<768x128xi32>
    %slice3A_314 = vector.extract_strided_slice %dot_general3A_257 {offsets = [0, 1024], sizes = [768, 128], strides = [1, 1]} : vector<768x2048xf32> to vector<768x128xf32>
    %gt3A_315 = arith.cmpf ogt, %slice3A_314, %select_n3A_309 : vector<768x128xf32>
    %select_n3A_316 = arith.select %gt3A_315, %slice3A_314, %select_n3A_309 : vector<768x128xi1>, vector<768x128xf32>
    %add3A_317 = arith.constant 5120 : i32
    %add3A_318 = vector.broadcast %add3A_317 : i32 to vector<768x128xi32>
    %add3A_319 = arith.addi %iota3A, %add3A_318 : vector<768x128xi32>
    %select_n3A_320 = arith.select %gt3A_315, %add3A_319, %select_n3A_313 : vector<768x128xi1>, vector<768x128xi32>
    %slice3A_321 = vector.extract_strided_slice %dot_general3A_257 {offsets = [0, 1152], sizes = [768, 128], strides = [1, 1]} : vector<768x2048xf32> to vector<768x128xf32>
    %gt3A_322 = arith.cmpf ogt, %slice3A_321, %select_n3A_316 : vector<768x128xf32>
    %select_n3A_323 = arith.select %gt3A_322, %slice3A_321, %select_n3A_316 : vector<768x128xi1>, vector<768x128xf32>
    %add3A_324 = arith.constant 5248 : i32
    %add3A_325 = vector.broadcast %add3A_324 : i32 to vector<768x128xi32>
    %add3A_326 = arith.addi %iota3A, %add3A_325 : vector<768x128xi32>
    %select_n3A_327 = arith.select %gt3A_322, %add3A_326, %select_n3A_320 : vector<768x128xi1>, vector<768x128xi32>
    %slice3A_328 = vector.extract_strided_slice %dot_general3A_257 {offsets = [0, 1280], sizes = [768, 128], strides = [1, 1]} : vector<768x2048xf32> to vector<768x128xf32>
    %gt3A_329 = arith.cmpf ogt, %slice3A_328, %select_n3A_323 : vector<768x128xf32>
    %select_n3A_330 = arith.select %gt3A_329, %slice3A_328, %select_n3A_323 : vector<768x128xi1>, vector<768x128xf32>
    %add3A_331 = arith.constant 5376 : i32
    %add3A_332 = vector.broadcast %add3A_331 : i32 to vector<768x128xi32>
    %add3A_333 = arith.addi %iota3A, %add3A_332 : vector<768x128xi32>
    %select_n3A_334 = arith.select %gt3A_329, %add3A_333, %select_n3A_327 : vector<768x128xi1>, vector<768x128xi32>
    %slice3A_335 = vector.extract_strided_slice %dot_general3A_257 {offsets = [0, 1408], sizes = [768, 128], strides = [1, 1]} : vector<768x2048xf32> to vector<768x128xf32>
    %gt3A_336 = arith.cmpf ogt, %slice3A_335, %select_n3A_330 : vector<768x128xf32>
    %select_n3A_337 = arith.select %gt3A_336, %slice3A_335, %select_n3A_330 : vector<768x128xi1>, vector<768x128xf32>
    %add3A_338 = arith.constant 5504 : i32
    %add3A_339 = vector.broadcast %add3A_338 : i32 to vector<768x128xi32>
    %add3A_340 = arith.addi %iota3A, %add3A_339 : vector<768x128xi32>
    %select_n3A_341 = arith.select %gt3A_336, %add3A_340, %select_n3A_334 : vector<768x128xi1>, vector<768x128xi32>
    %slice3A_342 = vector.extract_strided_slice %dot_general3A_257 {offsets = [0, 1536], sizes = [768, 128], strides = [1, 1]} : vector<768x2048xf32> to vector<768x128xf32>
    %gt3A_343 = arith.cmpf ogt, %slice3A_342, %select_n3A_337 : vector<768x128xf32>
    %select_n3A_344 = arith.select %gt3A_343, %slice3A_342, %select_n3A_337 : vector<768x128xi1>, vector<768x128xf32>
    %add3A_345 = arith.constant 5632 : i32
    %add3A_346 = vector.broadcast %add3A_345 : i32 to vector<768x128xi32>
    %add3A_347 = arith.addi %iota3A, %add3A_346 : vector<768x128xi32>
    %select_n3A_348 = arith.select %gt3A_343, %add3A_347, %select_n3A_341 : vector<768x128xi1>, vector<768x128xi32>
    %slice3A_349 = vector.extract_strided_slice %dot_general3A_257 {offsets = [0, 1664], sizes = [768, 128], strides = [1, 1]} : vector<768x2048xf32> to vector<768x128xf32>
    %gt3A_350 = arith.cmpf ogt, %slice3A_349, %select_n3A_344 : vector<768x128xf32>
    %select_n3A_351 = arith.select %gt3A_350, %slice3A_349, %select_n3A_344 : vector<768x128xi1>, vector<768x128xf32>
    %add3A_352 = arith.constant 5760 : i32
    %add3A_353 = vector.broadcast %add3A_352 : i32 to vector<768x128xi32>
    %add3A_354 = arith.addi %iota3A, %add3A_353 : vector<768x128xi32>
    %select_n3A_355 = arith.select %gt3A_350, %add3A_354, %select_n3A_348 : vector<768x128xi1>, vector<768x128xi32>
    %slice3A_356 = vector.extract_strided_slice %dot_general3A_257 {offsets = [0, 1792], sizes = [768, 128], strides = [1, 1]} : vector<768x2048xf32> to vector<768x128xf32>
    %gt3A_357 = arith.cmpf ogt, %slice3A_356, %select_n3A_351 : vector<768x128xf32>
    %select_n3A_358 = arith.select %gt3A_357, %slice3A_356, %select_n3A_351 : vector<768x128xi1>, vector<768x128xf32>
    %add3A_359 = arith.constant 5888 : i32
    %add3A_360 = vector.broadcast %add3A_359 : i32 to vector<768x128xi32>
    %add3A_361 = arith.addi %iota3A, %add3A_360 : vector<768x128xi32>
    %select_n3A_362 = arith.select %gt3A_357, %add3A_361, %select_n3A_355 : vector<768x128xi1>, vector<768x128xi32>
    %slice3A_363 = vector.extract_strided_slice %dot_general3A_257 {offsets = [0, 1920], sizes = [768, 128], strides = [1, 1]} : vector<768x2048xf32> to vector<768x128xf32>
    %gt3A_364 = arith.cmpf ogt, %slice3A_363, %select_n3A_358 : vector<768x128xf32>
    %select_n3A_365 = arith.select %gt3A_364, %slice3A_363, %select_n3A_358 : vector<768x128xi1>, vector<768x128xf32>
    %add3A_366 = arith.constant 6016 : i32
    %add3A_367 = vector.broadcast %add3A_366 : i32 to vector<768x128xi32>
    %add3A_368 = arith.addi %iota3A, %add3A_367 : vector<768x128xi32>
    %select_n3A_369 = arith.select %gt3A_364, %add3A_368, %select_n3A_362 : vector<768x128xi1>, vector<768x128xi32>
    %get3A_370 = arith.constant 6144 : index
    %get3A_371 = arith.constant 0 : index
    %get3A_372 = vector.load %arg9[%get3A_370, %get3A_371] : memref<8192x32xbf16, #tpu.memory_space<vmem>>, vector<2048x32xbf16>
    %dot_general3A_373 = arith.constant dense<0.000000e+00> : vector<768x2048xf32>
    %dot_general3A_374 = tpu.matmul %div3A_17, %get3A_372, %dot_general3A_373 {dimension_numbers = #tpu.dot_dimension_numbers<[1], [1], [0], [0], [0, 0, 1, 0], [], []>, transpose_lhs_hint = false} : vector<768x32xf32>, vector<2048x32xbf16>, vector<768x2048xf32> -> vector<768x2048xf32>
    %slice3A_375 = vector.extract_strided_slice %dot_general3A_374 {offsets = [0, 0], sizes = [768, 128], strides = [1, 1]} : vector<768x2048xf32> to vector<768x128xf32>
    %gt3A_376 = arith.cmpf ogt, %slice3A_375, %select_n3A_365 : vector<768x128xf32>
    %select_n3A_377 = arith.select %gt3A_376, %slice3A_375, %select_n3A_365 : vector<768x128xi1>, vector<768x128xf32>
    %add3A_378 = arith.constant 6144 : i32
    %add3A_379 = vector.broadcast %add3A_378 : i32 to vector<768x128xi32>
    %add3A_380 = arith.addi %iota3A, %add3A_379 : vector<768x128xi32>
    %select_n3A_381 = arith.select %gt3A_376, %add3A_380, %select_n3A_369 : vector<768x128xi1>, vector<768x128xi32>
    %slice3A_382 = vector.extract_strided_slice %dot_general3A_374 {offsets = [0, 128], sizes = [768, 128], strides = [1, 1]} : vector<768x2048xf32> to vector<768x128xf32>
    %gt3A_383 = arith.cmpf ogt, %slice3A_382, %select_n3A_377 : vector<768x128xf32>
    %select_n3A_384 = arith.select %gt3A_383, %slice3A_382, %select_n3A_377 : vector<768x128xi1>, vector<768x128xf32>
    %add3A_385 = arith.constant 6272 : i32
    %add3A_386 = vector.broadcast %add3A_385 : i32 to vector<768x128xi32>
    %add3A_387 = arith.addi %iota3A, %add3A_386 : vector<768x128xi32>
    %select_n3A_388 = arith.select %gt3A_383, %add3A_387, %select_n3A_381 : vector<768x128xi1>, vector<768x128xi32>
    %slice3A_389 = vector.extract_strided_slice %dot_general3A_374 {offsets = [0, 256], sizes = [768, 128], strides = [1, 1]} : vector<768x2048xf32> to vector<768x128xf32>
    %gt3A_390 = arith.cmpf ogt, %slice3A_389, %select_n3A_384 : vector<768x128xf32>
    %select_n3A_391 = arith.select %gt3A_390, %slice3A_389, %select_n3A_384 : vector<768x128xi1>, vector<768x128xf32>
    %add3A_392 = arith.constant 6400 : i32
    %add3A_393 = vector.broadcast %add3A_392 : i32 to vector<768x128xi32>
    %add3A_394 = arith.addi %iota3A, %add3A_393 : vector<768x128xi32>
    %select_n3A_395 = arith.select %gt3A_390, %add3A_394, %select_n3A_388 : vector<768x128xi1>, vector<768x128xi32>
    %slice3A_396 = vector.extract_strided_slice %dot_general3A_374 {offsets = [0, 384], sizes = [768, 128], strides = [1, 1]} : vector<768x2048xf32> to vector<768x128xf32>
    %gt3A_397 = arith.cmpf ogt, %slice3A_396, %select_n3A_391 : vector<768x128xf32>
    %select_n3A_398 = arith.select %gt3A_397, %slice3A_396, %select_n3A_391 : vector<768x128xi1>, vector<768x128xf32>
    %add3A_399 = arith.constant 6528 : i32
    %add3A_400 = vector.broadcast %add3A_399 : i32 to vector<768x128xi32>
    %add3A_401 = arith.addi %iota3A, %add3A_400 : vector<768x128xi32>
    %select_n3A_402 = arith.select %gt3A_397, %add3A_401, %select_n3A_395 : vector<768x128xi1>, vector<768x128xi32>
    %slice3A_403 = vector.extract_strided_slice %dot_general3A_374 {offsets = [0, 512], sizes = [768, 128], strides = [1, 1]} : vector<768x2048xf32> to vector<768x128xf32>
    %gt3A_404 = arith.cmpf ogt, %slice3A_403, %select_n3A_398 : vector<768x128xf32>
    %select_n3A_405 = arith.select %gt3A_404, %slice3A_403, %select_n3A_398 : vector<768x128xi1>, vector<768x128xf32>
    %add3A_406 = arith.constant 6656 : i32
    %add3A_407 = vector.broadcast %add3A_406 : i32 to vector<768x128xi32>
    %add3A_408 = arith.addi %iota3A, %add3A_407 : vector<768x128xi32>
    %select_n3A_409 = arith.select %gt3A_404, %add3A_408, %select_n3A_402 : vector<768x128xi1>, vector<768x128xi32>
    %slice3A_410 = vector.extract_strided_slice %dot_general3A_374 {offsets = [0, 640], sizes = [768, 128], strides = [1, 1]} : vector<768x2048xf32> to vector<768x128xf32>
    %gt3A_411 = arith.cmpf ogt, %slice3A_410, %select_n3A_405 : vector<768x128xf32>
    %select_n3A_412 = arith.select %gt3A_411, %slice3A_410, %select_n3A_405 : vector<768x128xi1>, vector<768x128xf32>
    %add3A_413 = arith.constant 6784 : i32
    %add3A_414 = vector.broadcast %add3A_413 : i32 to vector<768x128xi32>
    %add3A_415 = arith.addi %iota3A, %add3A_414 : vector<768x128xi32>
    %select_n3A_416 = arith.select %gt3A_411, %add3A_415, %select_n3A_409 : vector<768x128xi1>, vector<768x128xi32>
    %slice3A_417 = vector.extract_strided_slice %dot_general3A_374 {offsets = [0, 768], sizes = [768, 128], strides = [1, 1]} : vector<768x2048xf32> to vector<768x128xf32>
    %gt3A_418 = arith.cmpf ogt, %slice3A_417, %select_n3A_412 : vector<768x128xf32>
    %select_n3A_419 = arith.select %gt3A_418, %slice3A_417, %select_n3A_412 : vector<768x128xi1>, vector<768x128xf32>
    %add3A_420 = arith.constant 6912 : i32
    %add3A_421 = vector.broadcast %add3A_420 : i32 to vector<768x128xi32>
    %add3A_422 = arith.addi %iota3A, %add3A_421 : vector<768x128xi32>
    %select_n3A_423 = arith.select %gt3A_418, %add3A_422, %select_n3A_416 : vector<768x128xi1>, vector<768x128xi32>
    %slice3A_424 = vector.extract_strided_slice %dot_general3A_374 {offsets = [0, 896], sizes = [768, 128], strides = [1, 1]} : vector<768x2048xf32> to vector<768x128xf32>
    %gt3A_425 = arith.cmpf ogt, %slice3A_424, %select_n3A_419 : vector<768x128xf32>
    %select_n3A_426 = arith.select %gt3A_425, %slice3A_424, %select_n3A_419 : vector<768x128xi1>, vector<768x128xf32>
    %add3A_427 = arith.constant 7040 : i32
    %add3A_428 = vector.broadcast %add3A_427 : i32 to vector<768x128xi32>
    %add3A_429 = arith.addi %iota3A, %add3A_428 : vector<768x128xi32>
    %select_n3A_430 = arith.select %gt3A_425, %add3A_429, %select_n3A_423 : vector<768x128xi1>, vector<768x128xi32>
    %slice3A_431 = vector.extract_strided_slice %dot_general3A_374 {offsets = [0, 1024], sizes = [768, 128], strides = [1, 1]} : vector<768x2048xf32> to vector<768x128xf32>
    %gt3A_432 = arith.cmpf ogt, %slice3A_431, %select_n3A_426 : vector<768x128xf32>
    %select_n3A_433 = arith.select %gt3A_432, %slice3A_431, %select_n3A_426 : vector<768x128xi1>, vector<768x128xf32>
    %add3A_434 = arith.constant 7168 : i32
    %add3A_435 = vector.broadcast %add3A_434 : i32 to vector<768x128xi32>
    %add3A_436 = arith.addi %iota3A, %add3A_435 : vector<768x128xi32>
    %select_n3A_437 = arith.select %gt3A_432, %add3A_436, %select_n3A_430 : vector<768x128xi1>, vector<768x128xi32>
    %slice3A_438 = vector.extract_strided_slice %dot_general3A_374 {offsets = [0, 1152], sizes = [768, 128], strides = [1, 1]} : vector<768x2048xf32> to vector<768x128xf32>
    %gt3A_439 = arith.cmpf ogt, %slice3A_438, %select_n3A_433 : vector<768x128xf32>
    %select_n3A_440 = arith.select %gt3A_439, %slice3A_438, %select_n3A_433 : vector<768x128xi1>, vector<768x128xf32>
    %add3A_441 = arith.constant 7296 : i32
    %add3A_442 = vector.broadcast %add3A_441 : i32 to vector<768x128xi32>
    %add3A_443 = arith.addi %iota3A, %add3A_442 : vector<768x128xi32>
    %select_n3A_444 = arith.select %gt3A_439, %add3A_443, %select_n3A_437 : vector<768x128xi1>, vector<768x128xi32>
    %slice3A_445 = vector.extract_strided_slice %dot_general3A_374 {offsets = [0, 1280], sizes = [768, 128], strides = [1, 1]} : vector<768x2048xf32> to vector<768x128xf32>
    %gt3A_446 = arith.cmpf ogt, %slice3A_445, %select_n3A_440 : vector<768x128xf32>
    %select_n3A_447 = arith.select %gt3A_446, %slice3A_445, %select_n3A_440 : vector<768x128xi1>, vector<768x128xf32>
    %add3A_448 = arith.constant 7424 : i32
    %add3A_449 = vector.broadcast %add3A_448 : i32 to vector<768x128xi32>
    %add3A_450 = arith.addi %iota3A, %add3A_449 : vector<768x128xi32>
    %select_n3A_451 = arith.select %gt3A_446, %add3A_450, %select_n3A_444 : vector<768x128xi1>, vector<768x128xi32>
    %slice3A_452 = vector.extract_strided_slice %dot_general3A_374 {offsets = [0, 1408], sizes = [768, 128], strides = [1, 1]} : vector<768x2048xf32> to vector<768x128xf32>
    %gt3A_453 = arith.cmpf ogt, %slice3A_452, %select_n3A_447 : vector<768x128xf32>
    %select_n3A_454 = arith.select %gt3A_453, %slice3A_452, %select_n3A_447 : vector<768x128xi1>, vector<768x128xf32>
    %add3A_455 = arith.constant 7552 : i32
    %add3A_456 = vector.broadcast %add3A_455 : i32 to vector<768x128xi32>
    %add3A_457 = arith.addi %iota3A, %add3A_456 : vector<768x128xi32>
    %select_n3A_458 = arith.select %gt3A_453, %add3A_457, %select_n3A_451 : vector<768x128xi1>, vector<768x128xi32>
    %slice3A_459 = vector.extract_strided_slice %dot_general3A_374 {offsets = [0, 1536], sizes = [768, 128], strides = [1, 1]} : vector<768x2048xf32> to vector<768x128xf32>
    %gt3A_460 = arith.cmpf ogt, %slice3A_459, %select_n3A_454 : vector<768x128xf32>
    %select_n3A_461 = arith.select %gt3A_460, %slice3A_459, %select_n3A_454 : vector<768x128xi1>, vector<768x128xf32>
    %add3A_462 = arith.constant 7680 : i32
    %add3A_463 = vector.broadcast %add3A_462 : i32 to vector<768x128xi32>
    %add3A_464 = arith.addi %iota3A, %add3A_463 : vector<768x128xi32>
    %select_n3A_465 = arith.select %gt3A_460, %add3A_464, %select_n3A_458 : vector<768x128xi1>, vector<768x128xi32>
    %slice3A_466 = vector.extract_strided_slice %dot_general3A_374 {offsets = [0, 1664], sizes = [768, 128], strides = [1, 1]} : vector<768x2048xf32> to vector<768x128xf32>
    %gt3A_467 = arith.cmpf ogt, %slice3A_466, %select_n3A_461 : vector<768x128xf32>
    %select_n3A_468 = arith.select %gt3A_467, %slice3A_466, %select_n3A_461 : vector<768x128xi1>, vector<768x128xf32>
    %add3A_469 = arith.constant 7808 : i32
    %add3A_470 = vector.broadcast %add3A_469 : i32 to vector<768x128xi32>
    %add3A_471 = arith.addi %iota3A, %add3A_470 : vector<768x128xi32>
    %select_n3A_472 = arith.select %gt3A_467, %add3A_471, %select_n3A_465 : vector<768x128xi1>, vector<768x128xi32>
    %slice3A_473 = vector.extract_strided_slice %dot_general3A_374 {offsets = [0, 1792], sizes = [768, 128], strides = [1, 1]} : vector<768x2048xf32> to vector<768x128xf32>
    %gt3A_474 = arith.cmpf ogt, %slice3A_473, %select_n3A_468 : vector<768x128xf32>
    %select_n3A_475 = arith.select %gt3A_474, %slice3A_473, %select_n3A_468 : vector<768x128xi1>, vector<768x128xf32>
    %add3A_476 = arith.constant 7936 : i32
    %add3A_477 = vector.broadcast %add3A_476 : i32 to vector<768x128xi32>
    %add3A_478 = arith.addi %iota3A, %add3A_477 : vector<768x128xi32>
    %select_n3A_479 = arith.select %gt3A_474, %add3A_478, %select_n3A_472 : vector<768x128xi1>, vector<768x128xi32>
    %slice3A_480 = vector.extract_strided_slice %dot_general3A_374 {offsets = [0, 1920], sizes = [768, 128], strides = [1, 1]} : vector<768x2048xf32> to vector<768x128xf32>
    %gt3A_481 = arith.cmpf ogt, %slice3A_480, %select_n3A_475 : vector<768x128xf32>
    %select_n3A_482 = arith.select %gt3A_481, %slice3A_480, %select_n3A_475 : vector<768x128xi1>, vector<768x128xf32>
    %add3A_483 = arith.constant 8064 : i32
    %add3A_484 = vector.broadcast %add3A_483 : i32 to vector<768x128xi32>
    %add3A_485 = arith.addi %iota3A, %add3A_484 : vector<768x128xi32>
    %select_n3A_486 = arith.select %gt3A_481, %add3A_485, %select_n3A_479 : vector<768x128xi1>, vector<768x128xi32>
    %reduce_max3A = arith.constant dense<0xFF800000> : vector<768xf32>
    %reduce_max3A_487 = vector.multi_reduction <maximumf>, %select_n3A_482, %reduce_max3A [1] : vector<768x128xf32> to vector<768xf32>
    %broadcast_in_dim3A_488 = vector.shape_cast %reduce_max3A_487 : vector<768xf32> to vector<768x1xf32>
    %eq3A_489 = vector.broadcast %broadcast_in_dim3A_488 : vector<768x1xf32> to vector<768x128xf32>
    %eq3A_490 = arith.cmpf oeq, %select_n3A_482, %eq3A_489 : vector<768x128xf32>
    %jit3A = arith.constant 1073741824 : i32
    %broadcast_in_dim3A_491 = vector.broadcast %jit3A : i32 to vector<768x128xi32>
    %select_n3A_492 = arith.select %eq3A_490, %select_n3A_486, %broadcast_in_dim3A_491 : vector<768x128xi1>, vector<768x128xi32>
    %reduce_min3A = arith.constant dense<2147483647> : vector<768xi32>
    %reduce_min3A_493 = vector.multi_reduction <minsi>, %select_n3A_492, %reduce_min3A [1] : vector<768x128xi32> to vector<768xi32>
    %broadcast_in_dim3A_494 = vector.shape_cast %reduce_min3A_493 : vector<768xi32> to vector<768x1xi32>
    %swap3A = arith.constant 0 : index
    %swap3A_495 = arith.constant 0 : index
    %swap3A_496 = vector.load %arg7[%swap3A, %swap3A_495] : memref<768x1xi32, #tpu.memory_space<vmem>>, vector<768x1xi32>
    tpu.vector_store %arg7[%swap3A, %swap3A_495], %broadcast_in_dim3A_494 {strides = array<i32>} : memref<768x1xi32, #tpu.memory_space<vmem>>, vector<768x1xi32>,
    return
  }
  func.func @transform_0(%arg0: i32) -> (i32, i32) {
    %c0_i32 = arith.constant 0 : i32
    %c0_i32_0 = arith.constant 0 : i32
    %c0_i32_1 = arith.constant 0 : i32
    return %c0_i32, %c0_i32_0 : i32, i32
  }
  func.func @transform_1(%arg0: i32) -> (i32, i32) {
    %c0_i32 = arith.constant 0 : i32
    %c0_i32_0 = arith.constant 0 : i32
    %c0_i32_1 = arith.constant 0 : i32
    return %c0_i32, %c0_i32_0 : i32, i32
  }
  func.func @transform_2(%arg0: i32) -> (i32, i32) {
    %c0_i32 = arith.constant 0 : i32
    %c0_i32_0 = arith.constant 0 : i32
    %c0_i32_1 = arith.constant 0 : i32
    return %c0_i32, %c0_i32_0 : i32, i32
  }
  func.func @transform_3(%arg0: i32) -> (i32, i32) {
    %c0_i32 = arith.constant 0 : i32
    %c0_i32_0 = arith.constant 0 : i32
    return %arg0, %c0_i32 : i32, i32
  }
  func.func @transform_4(%arg0: i32) -> (i32, i32) {
    %c0_i32 = arith.constant 0 : i32
    %c0_i32_0 = arith.constant 0 : i32
    %c0_i32_1 = arith.constant 0 : i32
    return %c0_i32, %c0_i32_0 : i32, i32
  }
  func.func @transform_5(%arg0: i32) -> (i32, i32) {
    %c0_i32 = arith.constant 0 : i32
    %c0_i32_0 = arith.constant 0 : i32
    %c0_i32_1 = arith.constant 0 : i32
    return %c0_i32, %c0_i32_0 : i32, i32
  }
  func.func @transform_6(%arg0: i32) -> (i32, i32) {
    %c0_i32 = arith.constant 0 : i32
    %c0_i32_0 = arith.constant 0 : i32
    return %arg0, %c0_i32 : i32, i32
  }
  func.func @transform_7(%arg0: i32) -> (i32, i32) {
    %c0_i32 = arith.constant 0 : i32
    %c0_i32_0 = arith.constant 0 : i32
    %c0_i32_1 = arith.constant 0 : i32
    return %c0_i32, %c0_i32_0 : i32, i32
  }
}

</mosaic_0001>

<sc_bundles>
// kernel: kernel.4.cloned.1.call-start
scs
__scs_entry_jumppad:
0x0: {  	(pc) =	sbr.rel $0x88, $3  }
0x1: {  	(tag) =	ssettag $0x0;
	lr =	simm.s32 $0x1  }
0x2: {  	[smem:$0x3F9B] =	sst lr;
	_ =	strace $0xD0000000  }
0x3: {  	_ = 	snop  }
0x4: {  	_ = 	snop  }
0x5: {  	_ = 	snop  }
0x6: {  	_ = 	snop  }
0x7: {  	_ = 	snop  }
__scs_overlays_trampoline_lowered:
0x8: {  	[smem:$0x3FAA] =	sst s0  }
0x9: {  	[smem:$0x3FAB] =	sst s1  }
0xa: {  	[smem:$0x3FAC] =	sst s2  }
0xb: {  	[smem:$0x3FAD] =	sst s3  }
0xc: {  	[smem:$0x3FAE] =	sst s4  }
0xd: {  	[smem:$0x3FAF] =	sst s5  }
0xe: {  	[smem:$0x3FB0] =	sst s6  }
0xf: {  	[smem:$0x3FB1] =	sst s7  }
0x10: {  	[smem:$0x3FB2] =	sst s8  }
0x11: {  	[smem:$0x3FB3] =	sst s9;
	s0 =	simm.s32 @!p0 $0x0  }
0x12: {  	s1 =	sld [smem:$0x3F99];
	s0 =	simm.s32 @p0 $0x1  }
0x13: {  	[smem:$0x3FB4] =	sst s0;
	s0 =	simm.s32 @!p1 $0x0  }
0x14: {  	s2 =	sld [smem:$0x3F98];
	s0 =	simm.s32 @p1 $0x1  }
0x15: {  	[smem:$0x3FB5] =	sst s0;
	s0 =	simm.s32 @!p2 $0x0  }
0x16: {  	s3 =	sld [smem:$0x3FDB];
	s0 =	simm.s32 @p2 $0x1  }
0x17: {  	s4 =	simm.s32 $0x1BF5;
	[smem:$0x3FB7] =	sst s0  }
0x18: {  	s0 =	sld [smem:$0x3F9A];
	_ =	swait.ge [sflag:s4], $0x0  }
0x19: {  	s7 =	sld [smem:$0x3F9B]  }
0x1a: {  	s8 =	sadd.s32 $0xFFFFE003, lr  }
0x1b: {  	s9 =	sadd.s32 $0xFFFFFEF7, lr;
	s5 =	simm.s32 $0xFFFFFFFF;
	p2 =	slt.u32 s8, $0xFFFFF086  }
0x1c: {  	p1 =	slt.u32 s9, $0xF7A;
	s5 =	simm.s32 @!p2 $0x0  }
0x1d: {  	s5 =	simm.s32 @p1 $0x1;
	p0 =	seq.s32 s7, s2  }
0x1e: {  	s7 =	smul.u32 @!p0 $0xF7A, s2;
	p2 =	seq.s32 @!p0 s5, $0x0  }
0x1f: {  	s9 =	smul.u32 $0xF7A, s1;
	s8 =	simm.s32 @!p0 $0x1BF5;
	p2 =	por !p2, p0  }
0x20: {  	[sflag:s8] =	ssyncset.s32 @!p0 $0xFFFFF086;
	s6 =	sadd.s32 @!p0 s3, s7;
	s7 =	simm.s32 @!p0 $0x108  }
0x21: {  	s3 =	sadd.s32 s3, s9;
	s6 =	sadd.s32 @!p0 $0x88, s6;
	s7 =	simm.s32 @p2 $0x1082  }
0x22: {  	[simem:s7], [sflag:s8] =	dma.local @!p0 [hbm:s6], $0xF7A  }
0x23: {  	s9 =	sor.u32 $0xD0000000, s2;
	s6 =	simm.s32 $0x108;
	_ =	swait.ge @!p0 [sflag:s8], $0x0  }
0x24: {  	s3 =	sadd.s32 $0x88, s3;
	s6 =	simm.s32 @!p1 $0x1082;
	[sflag:s4] =	ssyncset.s32 $0xFFFFF086  }
0x25: {  	[simem:s6], [sflag:s4] =	dma.local [hbm:s3], $0xF7A  }
0x26: {  	[smem:$0x3F9B] =	sst s1;
	(tag) =	ssettag s2;
	_ =	strace s9  }
0x27: {  	s1 =	sld [smem:$0x3FAB]  }
0x28: {  	s2 =	sld [smem:$0x3FAC]  }
0x29: {  	s4 =	sld [smem:$0x3FAE]  }
0x2a: {  	p0 =	seq.s32 s5, $0x0;
	s5 =	sld [smem:$0x3FAF]  }
0x2b: {  	s6 =	sld [smem:$0x3FB0]  }
0x2c: {  	s7 =	sld [smem:$0x3FB1]  }
0x2d: {  	s3 =	simm.s32 $0x108;
	s8 =	sld [smem:$0x3FB2]  }
0x2e: {  	s3 =	simm.s32 @!p0 $0x1082;
	s9 =	sld [smem:$0x3FB3]  }
0x2f: {  	lr =	sadd.s32 s0, s3;
	s0 =	sld [smem:$0x3FAA]  }
0x30: {  	s3 =	sld [smem:$0x3FAD]  }
0x31: {  	[smem:$0x3FB6] =	sst s10  }
0x32: {  	s10 =	sld [smem:$0x3FB4];
	_ =	sdelay $0x3  }
0x33: {  	p0 =	seq.s32 s10, $0x1;
	s10 =	sld [smem:$0x3FB6];
	_ =	sdelay $0x3  }
0x34: {  	[smem:$0x3FB6] =	sst s10  }
0x35: {  	s10 =	sld [smem:$0x3FB5];
	_ =	sdelay $0x3  }
0x36: {  	p1 =	seq.s32 s10, $0x1;
	s10 =	sld [smem:$0x3FB6];
	_ =	sdelay $0x3  }
0x37: {  	[smem:$0x3FB6] =	sst s10  }
0x38: {  	s10 =	sld [smem:$0x3FB7]  }
0x39: {  	_ = 	snop;
	(pc) =	sbr.ind lr, $3  }
0x3a: {  	_ = 	snop  }
0x3b: {  	_ = 	snop  }
0x3c: {  	p2 =	seq.s32 s10, $0x1;
	s10 =	sld [smem:$0x3FB6]  }
0x3d: {  	_ =	shalt  }
0x3e: {  	_ =	shalt  }
0x3f: {  	_ =	shalt  }
0x40: {  	_ =	shalt  }
0x41: {  	_ =	shalt  }
0x42: {  	_ =	shalt  }
0x43: {  	_ =	shalt  }
0x44: {  	_ =	shalt  }
0x45: {  	_ =	shalt  }
0x46: {  	_ =	shalt  }
0x47: {  	_ =	shalt  }
0x48: {  	_ =	shalt  }
0x49: {  	_ =	shalt  }
0x4a: {  	_ =	shalt  }
0x4b: {  	_ =	shalt  }
0x4c: {  	_ =	shalt  }
0x4d: {  	_ =	shalt  }
0x4e: {  	_ =	shalt  }
0x4f: {  	_ =	shalt  }
0x50: {  	_ =	shalt  }
0x51: {  	_ =	shalt  }
0x52: {  	_ =	shalt  }
0x53: {  	_ =	shalt  }
0x54: {  	_ =	shalt  }
0x55: {  	_ =	shalt  }
0x56: {  	_ =	shalt  }
0x57: {  	_ =	shalt  }
0x58: {  	_ =	shalt  }
0x59: {  	_ =	shalt  }
0x5a: {  	_ =	shalt  }
0x5b: {  	_ =	shalt  }
0x5c: {  	_ =	shalt  }
0x5d: {  	_ =	shalt  }
0x5e: {  	_ =	shalt  }
0x5f: {  	_ =	shalt  }
0x60: {  	_ =	shalt  }
0x61: {  	_ =	shalt  }
0x62: {  	_ =	shalt  }
0x63: {  	_ =	shalt  }
0x64: {  	_ =	shalt  }
0x65: {  	_ =	shalt  }
0x66: {  	_ =	shalt  }
0x67: {  	_ =	shalt  }
0x68: {  	_ =	shalt  }
0x69: {  	_ =	shalt  }
0x6a: {  	_ =	shalt  }
0x6b: {  	_ =	shalt  }
0x6c: {  	_ =	shalt  }
0x6d: {  	_ =	shalt  }
0x6e: {  	_ =	shalt  }
0x6f: {  	_ =	shalt  }
0x70: {  	_ =	shalt  }
0x71: {  	_ =	shalt  }
0x72: {  	_ =	shalt  }
0x73: {  	_ =	shalt  }
0x74: {  	_ =	shalt  }
0x75: {  	_ =	shalt  }
0x76: {  	_ =	shalt  }
0x77: {  	_ =	shalt  }
0x78: {  	_ =	shalt  }
0x79: {  	_ =	shalt  }
0x7a: {  	_ =	shalt  }
0x7b: {  	_ =	shalt  }
0x7c: {  	_ =	shalt  }
0x7d: {  	_ =	shalt  }
0x7e: {  	_ =	shalt  }
0x7f: {  	_ =	shalt  }
0x80: {  	_ =	shalt  }
0x81: {  	_ =	shalt  }
0x82: {  	_ =	shalt  }
0x83: {  	_ =	shalt  }
0x84: {  	_ =	shalt  }
0x85: {  	_ =	shalt  }
0x86: {  	_ =	shalt  }
0x87: {  	_ =	shalt  }
.Lfunc_end0:
.L_simem_size_0:
called_computation_lowered:
.L_overlay_start_0:
0x88: {  	s2 =	sld [smem:$0x3FD9]  }
0x89: {  	s3 =	sld [smem:$0x3FFE];
	_ =	sdelay $0x1  }
0x8a: {  	s1 =	srdreg.scid  }
0x8b: {  	s0 =	sand.u32 $0x1, s1  }
0x8c: {  	s14 =	sshll.u32 s0, $0xA;
	s2 =	sadd.s32 s3, s2  }
0x8d: {  	s2 =	sadd.s32 s2, s14  }
0x8e: {  	[smem:$0x3FC2] =	sst s2  }
0x8f: {  	_ = 	snop  }
0x90: {  	s2 =	sld [smem:$0x3FD0];
	_ =	sdelay $0x2  }
0x91: {  	s15 =	simm.s32 $0xA;
	s4 =	simm.s32 $0x10  }
0x92: {  	[smem:s4], [sflag:s15] =	dma.local [hbm:s2], $0x1  }
0x93: {  	_ =	swait.eq [sflag:s15], $0x1  }
0x94: {  	[sflag:s15] =	ssyncset.done $0x0  }
0x95: {  	[sflag:s15] =	ssyncadd.s32 $0xFFFFFFFF  }
0x96: {  	s16 =	sld [smem:$0x10];
	(tm) =	ssettm $0x1  }
0x97: {  	s17 =	sld [smem:$0x3FFB];
	_ =	sdelay $0x3  }
0x98: {  	_ =	strace s17  }
0x99: {  	s3 =	sld [smem:$0x3FFC];
	_ =	sdelay $0x3  }
0x9a: {  	_ =	strace s3  }
0x9b: {  	s3 =	sld [smem:$0x3FFD];
	_ =	sdelay $0x3  }
0x9c: {  	_ =	strace s3  }
0x9d: {  	_ =	strace $0x8FFFFFFF  }
0x9e: {  	s18 =	sld [smem:$0x3FDB];
	_ =	sdelay $0x1  }
0x9f: {  	s19 =	simm.s32 $_scs_section_size  }
0xa0: {  	s5 =	simm.s32 $_size__tile_overlayer_lowered;
	s6 =	simm.s32 $_tile_overlayer_lowered  }
0xa1: {  	s22 =	simm.s32 $0x1BFF;
	s21 =	sshll.u32 s6, $0x1;
	s3 =	sadd.s32 s19, s18  }
0xa2: {  	s7 =	simm.s32 $0x0;
	s20 =	sshll.u32 s5, $0x1;
	s5 =	sadd.s32 s21, s3  }
0xa3: {  	[timem:s7], [sflag:s22] =	dma.local [hbm:s5], s20  }
0xa4: {  	_ =	swait.ge [sflag:s22], s20  }
0xa5: {  	s4 =	ssub.s32 $0x0, s20;
	[sflag:s22] =	ssyncset.done $0x0  }
0xa6: {  	[sflag:s22] =	ssyncadd.s32 s4;
	_ =	sdelay $0x1  }
0xa7: {  	s23 =	simm.s32 $0x1B8B  }
0xa8: {  	_ =	swait.ge [sflag:s23], $0x1  }
0xa9: {  	[sflag:s23] =	ssyncset.done $0x0  }
0xaa: {  	s25 =	simm.s32 $0x1B8E;
	s24 =	sld [smem:$0x3FFE];
	[sflag:s23] =	ssyncadd.s32 $0xFFFFFFFF  }
0xab: {  	s26 =	simm.s32 $execute0_lowered;
	[smem:$0x3FD2] =	sst s25  }
0xac: {  	s5 =	sshll.u32 s26, $0x1;
	_ =	strace $0x80000046;
	[dreg:$0x1] =	wrdreg $0xFFFFFFFF  }
0xad: {  	s28 =	simm.s32 $_size_execute0_lowered;
	s3 =	sadd.s32 s3, s5;
	[dreg:$0x0] =	wrdreg $0x0  }
0xae: {  	s5 =	sshll.u32 s28, $0x1;
	[dreg:$0x2] =	wrdreg s3  }
0xaf: {  	[dreg:$0x3] =	wrdreg s5  }
0xb0: {  	[dreg:$0x4] =	wrdreg $0xC0  }
0xb1: {  	_ =	task [dreg:s7], $0x5FFFF  }
0xb2: {  	[dreg:$0x1] =	wrdreg $0xFFFFFFFF  }
0xb3: {  	[dreg:$0x0] =	wrdreg $0x60  }
0xb4: {  	[dreg:$0x2] =	wrdreg s24  }
0xb5: {  	[dreg:$0x3] =	wrdreg s16  }
0xb6: {  	[dreg:$0x4] =	wrdreg $0x9  }
0xb7: {  	_ =	task.clear_ibuf [dreg:s7], $0x5FFFF;
	_ =	strace $0x90000046  }
0xb8: {  	s29 =	simm.s32 $0x9;
	_ =	strace $0x80000048  }
0xb9: {  	_ =	swait.ge [sflag:s29], $0x1  }
0xba: {  	[sflag:s29] =	ssyncadd.s32 $0xFFFFFFFF  }
0xbb: {  	_ =	strace $0x90000048  }
0xbc: {  	_ =	sfence  }
0xbd: {  	s30 =	sld [smem:$0x0];
	_ =	sdelay $0x2  }
0xbe: {  	s31 =	sshll.u32 s1, $0xD;
	s1 =	sshrl.u32 s1, $0x2  }
0xbf: {  	s3 =	sand.u32 $0x4000, s31;
	s1 =	sadd.s32 s1, s30  }
0xc0: {  	s0 =	sor.u32 s3, s0;
	s1 =	sshll.u32 s1, $0x11  }
0xc1: {  	s0 =	sor.u32 s1, s0  }
0xc2: {  	s0 =	sadd.s32 $0x8F2B, s0  }
0xc3: {  	[sflag:s0] =	ssyncadd.remote.s32 $0x1  }
0xc4: {  	_ =	sfence.sel $0xFFFF  }
0xc5: {  	[dreg:$0x0] =	wrdreg $0xFFFFFFFF;
	(pc) =	sbr.abs _section_cstart, $3  }
0xc6: {  	[dreg:$0x1] =	wrdreg $0xFFFFFFFF  }
0xc7: {  	_ =	task.clear_ibuf [dreg:s7], $0x2FFFF;
	_ =	strace $0x9FFFFFFF  }
0xc8: {  	(tm) =	ssettm $0x7FFFFFFF  }
0xc9: {  	_ =	shalt  }
tec
execute0_lowered:
.L_overlay_start_1:
0x0: {  	(tag) =	ssettag $0x1  }
0x1: {  	s1 =	srdreg.scid;
	s3 =	rddreg [dreg:$0x0]  }
0x2: {  	s0 =	stileid.u32;
	s4 =	rddreg [dreg:$0x1]  }
0x3: {  	s15 =	simm.s32 $0xA00;
	s16 =	simm.s32 $0x1200;
	s17 =	simm.s32 $0x1A00  }
0x4: {  	s18 =	simm.s32 $0x2200;
	s19 =	simm.s32 $0x2A00;
	s20 =	simm.s32 $0x3200  }
0x5: {  	s21 =	simm.s32 $0x3A00;
	s1 =	sand.u32 $0x1, s1;
	s2 =	sshll.u32 s0, $0x1  }
0x6: {  	s23 =	simm.s32 $0x4200;
	s5 =	sor.u32 s1, s2;
	s2 =	simm.s32 $0x0  }
0x7: {  	s24 =	simm.s32 $0x4A00;
	s25 =	simm.s32 $0x5200;
	[smem:$0x7FF] =	sst s2  }
0x8: {  	s26 =	simm.s32 $0x5A00;
	_ =	strace $0x80000047;
	[dreg:$0x5] =	wrdreg s15  }
0x9: {  	s8 =	simm.s32 $0x6A00;
	s9 =	simm.s32 $0x7200;
	[dreg:$0x6] =	wrdreg s16  }
0xa: {  	s10 =	simm.s32 $0x7A00;
	s11 =	simm.s32 $0x8200;
	[dreg:$0x7] =	wrdreg s17  }
0xb: {  	s12 =	simm.s32 $0x8A00;
	s13 =	simm.s32 $0x9200;
	[dreg:$0x8] =	wrdreg s18  }
0xc: {  	s14 =	simm.s32 $0x9A00;
	s28 =	simm.s32 $0x10200;
	[dreg:$0x9] =	wrdreg s19  }
0xd: {  	s29 =	simm.s32 $0x10A00;
	s30 =	simm.s32 $0x11200;
	[dreg:$0xa] =	wrdreg s20  }
0xe: {  	s31 =	simm.s32 $0x11A00;
	s1 =	ssub.s32 $0x2, s1;
	[dreg:$0xb] =	wrdreg s21  }
0xf: {  	s6 =	sshll.u32 s5, $0x6;
	s5 =	smul.u32 $0x2400, s5;
	[dreg:$0xc] =	wrdreg s23  }
0x10: {  	s22 =	sshrl.u32 s1, $0x1;
	s6 =	sadd.s32 s6, s3;
	[dreg:$0xd] =	wrdreg s24  }
0x11: {  	s3 =	sadd.s32 $0xC00, s3;
	s1 =	ssub.s32 s1, s22;
	[dreg:$0xe] =	wrdreg s25  }
0x12: {  	[dreg:$0xf] =	wrdreg s26;
	s15 =	simm.s32 $0xA200;
	s16 =	simm.s32 $0xAA00  }
0x13: {  	s17 =	simm.s32 $0xB200;
	s18 =	simm.s32 $0xBA00;
	s19 =	simm.s32 $0xC200  }
0x14: {  	s20 =	simm.s32 $0xCA00;
	s21 =	simm.s32 $0xD200;
	s22 =	simm.s32 $0xDA00  }
0x15: {  	s23 =	simm.s32 $0xE200;
	s24 =	simm.s32 $0xEA00;
	s6 =	sadd.s32 $0x40C00, s6  }
0x16: {  	v2 =	vlaneseq.u32;
	s25 =	simm.s32 $0xF200;
	s4 =	sadd.s32 s4, s5;
	[dreg:$0x3] =	wrdreg s6  }
0x17: {  	vm0 =	vmmov $0xffff;
	v1 =	vshrl.u32 v2, $0x3;
	s26 =	simm.s32 $0xFA00;
	s5 =	simm.s32 $0x2;
	[dreg:$0x4] =	wrdreg s4  }
0x18: {  	v0 =	vand.u32 $0x7, v2;
	v2 =	vor.u32 $0x8, v2;
	v1 =	vmul.u32 $0x8, v1;
	s4 =	smax.u32 s1, $0x1;
	s6 =	simm.s32 $0x200;
	s1 =	simm.s32 $0x1  }
.LBB2_1:
0x19: {  	s0 =	rddreg [dreg:$0x3]  }
0x1a: {  	[tilespmem:s2], [sflag:$0x2] =	stream.linear.gather [hbm4b:s0+s2], $0x180, $0x38;
	[tilespmem:$0x12200] =	vst v63  }
0x1b: {  	_ =	swait.ge [sflag:s5], $0x180  }
0x1c: {  	[sflag:s5] =	ssyncset.done $0x0  }
0x1d: {  	[sflag:s5] =	ssyncadd.s32 $0xFFFFFE80  }
0x1e: {  	v3 =	vld [tilespmem:$0x0];
	_ =	sdelay $0x4  }
0x1f: {  	v4 =	vshll.u32 v3, $0x1  }
0x20: {  	v3 =	vand.u32 $0x7, v3;
	v4 =	vand.u32 $0xFFFFFFF0, v4  }
0x21: {  	v3 =	vor.u32 v3, v4  }
0x22: {  	v4 =	vperm.xlane v3, v0;
	_ =	sdelay $0x1  }
0x23: {  	v3 =	vperm.xlane v3, v2;
	v4 =	vadd.s32 v1, v4;
	_ =	sdelay $0x1  }
0x24: {  	v3 =	vadd.s32 v1, v3;
	_ =	sdelay $0x2  }
0x25: {  	[tilespmem:s6], [sflag:$0x1] =	stream.indirect_vreg.gather [hbm4b:s3+s2], $0x80, v4, vm0, $0xb8;
	[tilespmem:$0x12200] =	vst v63  }
0x26: {  	s7 =	rddreg [dreg:$0x5]  }
0x27: {  	[tilespmem:s7], [sflag:$0x1] =	stream.indirect_vreg.gather [hbm4b:s3+s2], $0x80, v3, vm0, $0xb8;
	[tilespmem:$0x12200] =	vst v63  }
0x28: {  	v3 =	vld [tilespmem:$0x10];
	_ =	sdelay $0x4  }
0x29: {  	v47 =	vshll.u32 v3, $0x1  }
0x2a: {  	v3 =	vand.u32 $0x7, v3;
	v4 =	vand.u32 $0xFFFFFFF0, v47  }
0x2b: {  	v3 =	vor.u32 v3, v4  }
0x2c: {  	v4 =	vperm.xlane v3, v0;
	_ =	sdelay $0x1  }
0x2d: {  	v3 =	vperm.xlane v3, v2;
	v4 =	vadd.s32 v1, v4;
	_ =	sdelay $0x1  }
0x2e: {  	v3 =	vadd.s32 v1, v3;
	_ =	sdelay $0x1  }
0x2f: {  	s0 =	rddreg [dreg:$0x6]  }
0x30: {  	[tilespmem:s0], [sflag:$0x1] =	stream.indirect_vreg.gather [hbm4b:s3+s2], $0x80, v4, vm0, $0xb8;
	[tilespmem:$0x12200] =	vst v63  }
0x31: {  	s7 =	rddreg [dreg:$0x7]  }
0x32: {  	[tilespmem:s7], [sflag:$0x1] =	stream.indirect_vreg.gather [hbm4b:s3+s2], $0x80, v3, vm0, $0xb8;
	[tilespmem:$0x12200] =	vst v63  }
0x33: {  	v3 =	vld [tilespmem:$0x20];
	_ =	sdelay $0x4  }
0x34: {  	v48 =	vshll.u32 v3, $0x1  }
0x35: {  	v3 =	vand.u32 $0x7, v3;
	v4 =	vand.u32 $0xFFFFFFF0, v48  }
0x36: {  	v3 =	vor.u32 v3, v4  }
0x37: {  	v4 =	vperm.xlane v3, v0;
	_ =	sdelay $0x1  }
0x38: {  	v3 =	vperm.xlane v3, v2;
	v4 =	vadd.s32 v1, v4;
	_ =	sdelay $0x1  }
0x39: {  	v3 =	vadd.s32 v1, v3;
	_ =	sdelay $0x1  }
0x3a: {  	s0 =	rddreg [dreg:$0x8]  }
0x3b: {  	[tilespmem:s0], [sflag:$0x1] =	stream.indirect_vreg.gather [hbm4b:s3+s2], $0x80, v4, vm0, $0xb8;
	[tilespmem:$0x12200] =	vst v63  }
0x3c: {  	s7 =	rddreg [dreg:$0x9]  }
0x3d: {  	[tilespmem:s7], [sflag:$0x1] =	stream.indirect_vreg.gather [hbm4b:s3+s2], $0x80, v3, vm0, $0xb8;
	[tilespmem:$0x12200] =	vst v63  }
0x3e: {  	v3 =	vld [tilespmem:$0x30];
	_ =	sdelay $0x4  }
0x3f: {  	v49 =	vshll.u32 v3, $0x1  }
0x40: {  	v3 =	vand.u32 $0x7, v3;
	v4 =	vand.u32 $0xFFFFFFF0, v49  }
0x41: {  	v3 =	vor.u32 v3, v4  }
0x42: {  	v4 =	vperm.xlane v3, v0;
	_ =	sdelay $0x1  }
0x43: {  	v3 =	vperm.xlane v3, v2;
	v4 =	vadd.s32 v1, v4;
	_ =	sdelay $0x1  }
0x44: {  	v3 =	vadd.s32 v1, v3;
	_ =	sdelay $0x1  }
0x45: {  	s0 =	rddreg [dreg:$0xa]  }
0x46: {  	[tilespmem:s0], [sflag:$0x1] =	stream.indirect_vreg.gather [hbm4b:s3+s2], $0x80, v4, vm0, $0xb8;
	[tilespmem:$0x12200] =	vst v63  }
0x47: {  	s7 =	rddreg [dreg:$0xb]  }
0x48: {  	[tilespmem:s7], [sflag:$0x1] =	stream.indirect_vreg.gather [hbm4b:s3+s2], $0x80, v3, vm0, $0xb8;
	[tilespmem:$0x12200] =	vst v63  }
0x49: {  	v3 =	vld [tilespmem:$0x40];
	_ =	sdelay $0x4  }
0x4a: {  	v50 =	vshll.u32 v3, $0x1  }
0x4b: {  	v3 =	vand.u32 $0x7, v3;
	v4 =	vand.u32 $0xFFFFFFF0, v50  }
0x4c: {  	v3 =	vor.u32 v3, v4  }
0x4d: {  	v4 =	vperm.xlane v3, v0;
	_ =	sdelay $0x1  }
0x4e: {  	v3 =	vperm.xlane v3, v2;
	v4 =	vadd.s32 v1, v4;
	_ =	sdelay $0x1  }
0x4f: {  	v3 =	vadd.s32 v1, v3;
	_ =	sdelay $0x1  }
0x50: {  	s0 =	rddreg [dreg:$0xc]  }
0x51: {  	[tilespmem:s0], [sflag:$0x1] =	stream.indirect_vreg.gather [hbm4b:s3+s2], $0x80, v4, vm0, $0xb8;
	[tilespmem:$0x12200] =	vst v63  }
0x52: {  	s7 =	rddreg [dreg:$0xd]  }
0x53: {  	[tilespmem:s7], [sflag:$0x1] =	stream.indirect_vreg.gather [hbm4b:s3+s2], $0x80, v3, vm0, $0xb8;
	[tilespmem:$0x12200] =	vst v63  }
0x54: {  	v3 =	vld [tilespmem:$0x50];
	_ =	sdelay $0x4  }
0x55: {  	v51 =	vshll.u32 v3, $0x1  }
0x56: {  	v3 =	vand.u32 $0x7, v3;
	v4 =	vand.u32 $0xFFFFFFF0, v51  }
0x57: {  	v3 =	vor.u32 v3, v4  }
0x58: {  	v4 =	vperm.xlane v3, v0;
	_ =	sdelay $0x1  }
0x59: {  	v3 =	vperm.xlane v3, v2;
	v4 =	vadd.s32 v1, v4;
	_ =	sdelay $0x1  }
0x5a: {  	v3 =	vadd.s32 v1, v3;
	_ =	sdelay $0x1  }
0x5b: {  	s0 =	rddreg [dreg:$0xe]  }
0x5c: {  	[tilespmem:s0], [sflag:$0x1] =	stream.indirect_vreg.gather [hbm4b:s3+s2], $0x80, v4, vm0, $0xb8;
	[tilespmem:$0x12200] =	vst v63  }
0x5d: {  	s7 =	rddreg [dreg:$0xf]  }
0x5e: {  	[tilespmem:s7], [sflag:$0x1] =	stream.indirect_vreg.gather [hbm4b:s3+s2], $0x80, v3, vm0, $0xb8;
	[tilespmem:$0x12200] =	vst v63  }
0x5f: {  	v3 =	vld [tilespmem:$0x80];
	_ =	sdelay $0x4  }
0x60: {  	v52 =	vshll.u32 v3, $0x1  }
0x61: {  	v3 =	vand.u32 $0x7, v3;
	v4 =	vand.u32 $0xFFFFFFF0, v52  }
0x62: {  	v3 =	vor.u32 v3, v4  }
0x63: {  	v4 =	vperm.xlane v3, v0;
	_ =	sdelay $0x1  }
0x64: {  	v3 =	vperm.xlane v3, v2;
	v4 =	vadd.s32 v1, v4;
	_ =	sdelay $0x1  }
0x65: {  	v3 =	vadd.s32 v1, v3;
	_ =	sdelay $0x1  }
0x66: {  	s7 =	simm.s32 $0x6200  }
0x67: {  	[tilespmem:s7], [sflag:$0x1] =	stream.indirect_vreg.gather [hbm4b:s3+s2], $0x80, v4, vm0, $0xb8;
	[tilespmem:$0x12200] =	vst v63  }
0x68: {  	_ = 	snop  }
0x69: {  	[tilespmem:s8], [sflag:$0x1] =	stream.indirect_vreg.gather [hbm4b:s3+s2], $0x80, v3, vm0, $0xb8;
	[tilespmem:$0x12200] =	vst v63  }
0x6a: {  	v3 =	vld [tilespmem:$0x90];
	_ =	sdelay $0x4  }
0x6b: {  	v53 =	vshll.u32 v3, $0x1  }
0x6c: {  	v3 =	vand.u32 $0x7, v3;
	v4 =	vand.u32 $0xFFFFFFF0, v53  }
0x6d: {  	v3 =	vor.u32 v3, v4  }
0x6e: {  	v4 =	vperm.xlane v3, v0;
	_ =	sdelay $0x1  }
0x6f: {  	v3 =	vperm.xlane v3, v2;
	v4 =	vadd.s32 v1, v4;
	_ =	sdelay $0x1  }
0x70: {  	v3 =	vadd.s32 v1, v3;
	_ =	sdelay $0x2  }
0x71: {  	[tilespmem:s9], [sflag:$0x1] =	stream.indirect_vreg.gather [hbm4b:s3+s2], $0x80, v4, vm0, $0xb8;
	[tilespmem:$0x12200] =	vst v63  }
0x72: {  	_ = 	snop  }
0x73: {  	[tilespmem:s10], [sflag:$0x1] =	stream.indirect_vreg.gather [hbm4b:s3+s2], $0x80, v3, vm0, $0xb8;
	[tilespmem:$0x12200] =	vst v63  }
0x74: {  	v3 =	vld [tilespmem:$0xA0];
	_ =	sdelay $0x4  }
0x75: {  	v54 =	vshll.u32 v3, $0x1  }
0x76: {  	v3 =	vand.u32 $0x7, v3;
	v4 =	vand.u32 $0xFFFFFFF0, v54  }
0x77: {  	v3 =	vor.u32 v3, v4  }
0x78: {  	v4 =	vperm.xlane v3, v0;
	_ =	sdelay $0x1  }
0x79: {  	v3 =	vperm.xlane v3, v2;
	v4 =	vadd.s32 v1, v4;
	_ =	sdelay $0x1  }
0x7a: {  	v3 =	vadd.s32 v1, v3;
	_ =	sdelay $0x2  }
0x7b: {  	[tilespmem:s11], [sflag:$0x1] =	stream.indirect_vreg.gather [hbm4b:s3+s2], $0x80, v4, vm0, $0xb8;
	[tilespmem:$0x12200] =	vst v63  }
0x7c: {  	_ = 	snop  }
0x7d: {  	[tilespmem:s12], [sflag:$0x1] =	stream.indirect_vreg.gather [hbm4b:s3+s2], $0x80, v3, vm0, $0xb8;
	[tilespmem:$0x12200] =	vst v63  }
0x7e: {  	v3 =	vld [tilespmem:$0xB0];
	_ =	sdelay $0x4  }
0x7f: {  	v55 =	vshll.u32 v3, $0x1  }
0x80: {  	v3 =	vand.u32 $0x7, v3;
	v4 =	vand.u32 $0xFFFFFFF0, v55  }
0x81: {  	v3 =	vor.u32 v3, v4  }
0x82: {  	v4 =	vperm.xlane v3, v0;
	_ =	sdelay $0x1  }
0x83: {  	v3 =	vperm.xlane v3, v2;
	v4 =	vadd.s32 v1, v4;
	_ =	sdelay $0x1  }
0x84: {  	v3 =	vadd.s32 v1, v3;
	_ =	sdelay $0x2  }
0x85: {  	[tilespmem:s13], [sflag:$0x1] =	stream.indirect_vreg.gather [hbm4b:s3+s2], $0x80, v4, vm0, $0xb8;
	[tilespmem:$0x12200] =	vst v63  }
0x86: {  	_ = 	snop  }
0x87: {  	[tilespmem:s14], [sflag:$0x1] =	stream.indirect_vreg.gather [hbm4b:s3+s2], $0x80, v3, vm0, $0xb8;
	[tilespmem:$0x12200] =	vst v63  }
0x88: {  	v3 =	vld [tilespmem:$0xC0];
	_ =	sdelay $0x4  }
0x89: {  	v56 =	vshll.u32 v3, $0x1  }
0x8a: {  	v3 =	vand.u32 $0x7, v3;
	v4 =	vand.u32 $0xFFFFFFF0, v56  }
0x8b: {  	v3 =	vor.u32 v3, v4  }
0x8c: {  	v4 =	vperm.xlane v3, v0;
	_ =	sdelay $0x1  }
0x8d: {  	v3 =	vperm.xlane v3, v2;
	v4 =	vadd.s32 v1, v4;
	_ =	sdelay $0x1  }
0x8e: {  	v3 =	vadd.s32 v1, v3;
	_ =	sdelay $0x2  }
0x8f: {  	[tilespmem:s15], [sflag:$0x1] =	stream.indirect_vreg.gather [hbm4b:s3+s2], $0x80, v4, vm0, $0xb8;
	[tilespmem:$0x12200] =	vst v63  }
0x90: {  	_ = 	snop  }
0x91: {  	[tilespmem:s16], [sflag:$0x1] =	stream.indirect_vreg.gather [hbm4b:s3+s2], $0x80, v3, vm0, $0xb8;
	[tilespmem:$0x12200] =	vst v63  }
0x92: {  	v3 =	vld [tilespmem:$0xD0];
	_ =	sdelay $0x4  }
0x93: {  	v57 =	vshll.u32 v3, $0x1  }
0x94: {  	v3 =	vand.u32 $0x7, v3;
	v4 =	vand.u32 $0xFFFFFFF0, v57  }
0x95: {  	v3 =	vor.u32 v3, v4  }
0x96: {  	v4 =	vperm.xlane v3, v0;
	_ =	sdelay $0x1  }
0x97: {  	v3 =	vperm.xlane v3, v2;
	v4 =	vadd.s32 v1, v4;
	_ =	sdelay $0x1  }
0x98: {  	v3 =	vadd.s32 v1, v3;
	_ =	sdelay $0x2  }
0x99: {  	[tilespmem:s17], [sflag:$0x1] =	stream.indirect_vreg.gather [hbm4b:s3+s2], $0x80, v4, vm0, $0xb8;
	[tilespmem:$0x12200] =	vst v63  }
0x9a: {  	_ = 	snop  }
0x9b: {  	[tilespmem:s18], [sflag:$0x1] =	stream.indirect_vreg.gather [hbm4b:s3+s2], $0x80, v3, vm0, $0xb8;
	[tilespmem:$0x12200] =	vst v63  }
0x9c: {  	v3 =	vld [tilespmem:$0x100];
	_ =	sdelay $0x4  }
0x9d: {  	v58 =	vshll.u32 v3, $0x1  }
0x9e: {  	v3 =	vand.u32 $0x7, v3;
	v4 =	vand.u32 $0xFFFFFFF0, v58  }
0x9f: {  	v3 =	vor.u32 v3, v4  }
0xa0: {  	v4 =	vperm.xlane v3, v0;
	_ =	sdelay $0x1  }
0xa1: {  	v3 =	vperm.xlane v3, v2;
	v4 =	vadd.s32 v1, v4;
	_ =	sdelay $0x1  }
0xa2: {  	v3 =	vadd.s32 v1, v3;
	_ =	sdelay $0x2  }
0xa3: {  	[tilespmem:s19], [sflag:$0x1] =	stream.indirect_vreg.gather [hbm4b:s3+s2], $0x80, v4, vm0, $0xb8;
	[tilespmem:$0x12200] =	vst v63  }
0xa4: {  	_ = 	snop  }
0xa5: {  	[tilespmem:s20], [sflag:$0x1] =	stream.indirect_vreg.gather [hbm4b:s3+s2], $0x80, v3, vm0, $0xb8;
	[tilespmem:$0x12200] =	vst v63  }
0xa6: {  	v3 =	vld [tilespmem:$0x110];
	_ =	sdelay $0x4  }
0xa7: {  	v59 =	vshll.u32 v3, $0x1  }
0xa8: {  	v3 =	vand.u32 $0x7, v3;
	v4 =	vand.u32 $0xFFFFFFF0, v59  }
0xa9: {  	v3 =	vor.u32 v3, v4  }
0xaa: {  	v4 =	vperm.xlane v3, v0;
	_ =	sdelay $0x1  }
0xab: {  	v3 =	vperm.xlane v3, v2;
	v4 =	vadd.s32 v1, v4;
	_ =	sdelay $0x1  }
0xac: {  	v3 =	vadd.s32 v1, v3;
	_ =	sdelay $0x2  }
0xad: {  	[tilespmem:s21], [sflag:$0x1] =	stream.indirect_vreg.gather [hbm4b:s3+s2], $0x80, v4, vm0, $0xb8;
	[tilespmem:$0x12200] =	vst v63  }
0xae: {  	_ = 	snop  }
0xaf: {  	[tilespmem:s22], [sflag:$0x1] =	stream.indirect_vreg.gather [hbm4b:s3+s2], $0x80, v3, vm0, $0xb8;
	[tilespmem:$0x12200] =	vst v63  }
0xb0: {  	v3 =	vld [tilespmem:$0x120];
	_ =	sdelay $0x4  }
0xb1: {  	v60 =	vshll.u32 v3, $0x1  }
0xb2: {  	v3 =	vand.u32 $0x7, v3;
	v4 =	vand.u32 $0xFFFFFFF0, v60  }
0xb3: {  	v3 =	vor.u32 v3, v4  }
0xb4: {  	v4 =	vperm.xlane v3, v0;
	_ =	sdelay $0x1  }
0xb5: {  	v3 =	vperm.xlane v3, v2;
	v4 =	vadd.s32 v1, v4;
	_ =	sdelay $0x1  }
0xb6: {  	v3 =	vadd.s32 v1, v3;
	_ =	sdelay $0x2  }
0xb7: {  	[tilespmem:s23], [sflag:$0x1] =	stream.indirect_vreg.gather [hbm4b:s3+s2], $0x80, v4, vm0, $0xb8;
	[tilespmem:$0x12200] =	vst v63  }
0xb8: {  	_ = 	snop  }
0xb9: {  	[tilespmem:s24], [sflag:$0x1] =	stream.indirect_vreg.gather [hbm4b:s3+s2], $0x80, v3, vm0, $0xb8;
	[tilespmem:$0x12200] =	vst v63  }
0xba: {  	v3 =	vld [tilespmem:$0x130];
	_ =	sdelay $0x4  }
0xbb: {  	v61 =	vshll.u32 v3, $0x1  }
0xbc: {  	v3 =	vand.u32 $0x7, v3;
	v4 =	vand.u32 $0xFFFFFFF0, v61  }
0xbd: {  	v3 =	vor.u32 v3, v4  }
0xbe: {  	v4 =	vperm.xlane v3, v0;
	_ =	sdelay $0x1  }
0xbf: {  	v3 =	vperm.xlane v3, v2;
	v4 =	vadd.s32 v1, v4;
	_ =	sdelay $0x1  }
0xc0: {  	v3 =	vadd.s32 v1, v3;
	_ =	sdelay $0x2  }
0xc1: {  	[tilespmem:s25], [sflag:$0x1] =	stream.indirect_vreg.gather [hbm4b:s3+s2], $0x80, v4, vm0, $0xb8;
	[tilespmem:$0x12200] =	vst v63  }
0xc2: {  	_ = 	snop  }
0xc3: {  	[tilespmem:s26], [sflag:$0x1] =	stream.indirect_vreg.gather [hbm4b:s3+s2], $0x80, v3, vm0, $0xb8;
	[tilespmem:$0x12200] =	vst v63  }
0xc4: {  	v3 =	vld [tilespmem:$0x140];
	_ =	sdelay $0x4  }
0xc5: {  	v62 =	vshll.u32 v3, $0x1  }
0xc6: {  	v3 =	vand.u32 $0x7, v3;
	v4 =	vand.u32 $0xFFFFFFF0, v62  }
0xc7: {  	v3 =	vor.u32 v3, v4  }
0xc8: {  	v4 =	vperm.xlane v3, v0;
	_ =	sdelay $0x1  }
0xc9: {  	v3 =	vperm.xlane v3, v2;
	v4 =	vadd.s32 v1, v4;
	_ =	sdelay $0x1  }
0xca: {  	v3 =	vadd.s32 v1, v3;
	_ =	sdelay $0x2  }
0xcb: {  	[tilespmem:s28], [sflag:$0x1] =	stream.indirect_vreg.gather [hbm4b:s3+s2], $0x80, v4, vm0, $0xb8;
	[tilespmem:$0x12200] =	vst v63  }
0xcc: {  	_ = 	snop  }
0xcd: {  	[tilespmem:s29], [sflag:$0x1] =	stream.indirect_vreg.gather [hbm4b:s3+s2], $0x80, v3, vm0, $0xb8;
	[tilespmem:$0x12200] =	vst v63  }
0xce: {  	v3 =	vld [tilespmem:$0x150];
	_ =	sdelay $0x4  }
0xcf: {  	v63 =	vshll.u32 v3, $0x1  }
0xd0: {  	v3 =	vand.u32 $0x7, v3;
	v4 =	vand.u32 $0xFFFFFFF0, v63  }
0xd1: {  	v3 =	vor.u32 v3, v4  }
0xd2: {  	v4 =	vperm.xlane v3, v0;
	_ =	sdelay $0x1  }
0xd3: {  	v3 =	vperm.xlane v3, v2;
	v4 =	vadd.s32 v1, v4;
	_ =	sdelay $0x1  }
0xd4: {  	v3 =	vadd.s32 v1, v3;
	_ =	sdelay $0x2  }
0xd5: {  	[tilespmem:s30], [sflag:$0x1] =	stream.indirect_vreg.gather [hbm4b:s3+s2], $0x80, v4, vm0, $0xb8;
	[tilespmem:$0x12200] =	vst v63  }
0xd6: {  	_ = 	snop  }
0xd7: {  	[tilespmem:s31], [sflag:$0x1] =	stream.indirect_vreg.gather [hbm4b:s3+s2], $0x80, v3, vm0, $0xb8;
	[tilespmem:$0x12200] =	vst v63  }
0xd8: {  	_ =	swait.ge [sflag:s1], $0x6000  }
0xd9: {  	[sflag:s1] =	ssyncset.done $0x0  }
0xda: {  	[sflag:s1] =	ssyncadd.s32 $0xFFFFA000  }
0xdb: {  	_ =	swait.ge [sflag:s1], $0x6000  }
0xdc: {  	[sflag:s1] =	ssyncset.done $0x0  }
0xdd: {  	[sflag:s1] =	ssyncadd.s32 $0xFFFFA000  }
0xde: {  	_ =	swait.ge [sflag:s1], $0x6000  }
0xdf: {  	p0 =	sne.s32 s4, $0x1;
	[sflag:s1] =	ssyncset.done $0x0  }
.Ltmp0:
0xe0: {  	s7 =	rddreg [dreg:$0x4];
	[sflag:s1] =	ssyncadd.s32 $0xFFFFA000;
	(pc) =	sbr.rel @p0 .LBB2_1-.Ltmp0, $4  }
0xe1: {  	[hbm4b:s7+s2] =	stream.linear.scatter [tilespmem:s6], [sflag:$0x2], $0x12000, $0x38;
	[tilespmem:$0x12200] =	vst v63  }
0xe2: {  	_ =	swait.ge [sflag:s5], $0x12000  }
0xe3: {  	[sflag:s5] =	ssyncset.done $0x0  }
0xe4: {  	s4 =	sadd.s32 $0xFFFFFFFF, s4;
	[sflag:s5] =	ssyncadd.s32 $0xFFFEE000  }
0xe5: {  	_ =	sfence.sel $0x180000  }
0xe6: {  	[bflag:$0x0] =	sbarrier.arrive $0xFFFF  }
0xe7: {  	_ =	strace $0x90000047  }
0xe8: {  	s0 =	stileid.u32;
	[bflag:$0x2] =	sbarrier.arrive $0xFFFF  }
0xe9: {  	p0 =	sne.s32 s0, $0x0;
	s0 =	rddreg [dreg:$0x2]  }
0xea: {  	s0 =	sadd.s32 @!p0 $0x100000, s0  }
0xeb: {  	[sflag:s0] =	ssyncadd.tile.s32 @!p0 $0x1;
	_ =	shalt  }
.Lfunc_end2:
_tile_overlayer_lowered:
.L_overlay_start_2:
0xec: {  	(tag) =	ssettag $0x2  }
0xed: {  	s0 =	rddreg [dreg:$0x0];
	s2 =	stileid.u32  }
0xee: {  	s1 =	rddreg [dreg:$0x1];
	p0 =	sne.s32 s2, $0x0  }
0xef: {  	s3 =	rddreg [dreg:$0x2];
	[bflag:$0x3] =	sbarrier.arrive $0xFFFF;
	s2 =	simm.s32 @!p0 $0x1C02  }
0xf0: {  	[timem:s3], [sflag:s2] =	dma.local @!p0 [hbm:s0], s1  }
0xf1: {  	s0 =	simm.s32 @!p0 $0x2  }
0xf2: {  	_ =	swait.ge @!p0 [sflag:s0], s1  }
0xf3: {  	s1 =	ssub.s32 @!p0 $0x0, s1;
	[sflag:s0] =	ssyncset.done @!p0 $0x0  }
0xf4: {  	[sflag:s0] =	ssyncadd.s32 @!p0 s1  }
0xf5: {  	[bflag:$0x3] =	sbarrier.arrive $0xFFFF  }
0xf6: {  	_ =	shalt  }

</sc_bundles>
